<compile_context>
chip_gen: v7x
topology: tpu7x:2x2x1
jax: 0.10.2.dev20260603
libtpu: 0.0.44.dev20260713+nightly
codegen_flags: <defaults>
</compile_context>

<pallas_src>
import functools

import jax
import jax.numpy as jnp
from jax import lax
from jax.experimental import pallas as pl
from jax.experimental.pallas import tpu as pltpu
from jax.experimental.pallas import tpu_sc as plsc

NC = 2
NS = 16
NW = NC * NS
LANES = 16

R = 2
NBUF = 4


@functools.lru_cache(maxsize=None)
def _build(rows, d):
    n_chunks = rows // (R * NW)
    assert rows % (R * NW) == 0 and n_chunks % NBUF == 0

    mesh = plsc.VectorSubcoreMesh(
        core_axis_name="c", subcore_axis_name="s", num_cores=NC, num_subcores=NS
    )

    @functools.partial(
        pl.kernel,
        out_type=jax.ShapeDtypeStruct((rows, d), jnp.float32),
        mesh=mesh,
        scratch_types=[
            pltpu.VMEM((LANES,), jnp.float32),
            [pltpu.VMEM((R, d), jnp.float32) for _ in range(4 * NBUF)],
            [pltpu.SemaphoreType.DMA for _ in range(2 * NBUF)],
        ],
    )
    def run(t_hbm, x_hbm, x1_hbm, m_hbm, out_hbm, tb, bufs, sems):
        xb = tuple(bufs[4 * b] for b in range(NBUF))
        x1b = tuple(bufs[4 * b + 1] for b in range(NBUF))
        mb = tuple(bufs[4 * b + 2] for b in range(NBUF))
        ob = tuple(bufs[4 * b + 3] for b in range(NBUF))
        in_sem = tuple(sems[:NBUF])
        out_sem = tuple(sems[NBUF:])

        wid = lax.axis_index("s") * NC + lax.axis_index("c")

        pltpu.sync_copy(t_hbm, tb)
        tv = tb[...]

        def chunk_row(c):
            return (c * NW + wid) * R

        def start_in(c, b):
            row = chunk_row(c)
            pltpu.async_copy(x_hbm.at[pl.ds(row, R), :], xb[b], in_sem[b])
            pltpu.async_copy(x1_hbm.at[pl.ds(row, R), :], x1b[b], in_sem[b])
            pltpu.async_copy(m_hbm.at[pl.ds(row, R), :], mb[b], in_sem[b])

        def wait_in(c, b):
            row = chunk_row(c)
            pltpu.make_async_copy(x_hbm.at[pl.ds(row, R), :], xb[b], in_sem[b]).wait()
            pltpu.make_async_copy(x_hbm.at[pl.ds(row, R), :], x1b[b], in_sem[b]).wait()
            pltpu.make_async_copy(x_hbm.at[pl.ds(row, R), :], mb[b], in_sem[b]).wait()

        for b in range(NBUF):
            start_in(b, b)

        @pl.loop(0, n_chunks, step=NBUF)
        def _blocks(i):
            for b in range(NBUF):
                c = i + b
                row = chunk_row(c)
                wait_in(c, b)

                @pl.when(i > 0)
                def _():
                    pltpu.make_async_copy(
                        ob[b], out_hbm.at[pl.ds(row, R), :], out_sem[b]
                    ).wait()

                xr, x1r, mr, orr = xb[b], x1b[b], mb[b], ob[b]

                for r in range(R):
                    @plsc.parallel_loop(0, d, step=LANES, unroll=8)
                    def _compute(j):
                        mv = mr[r, pl.ds(j, LANES)]
                        orr[r, pl.ds(j, LANES)] = jnp.where(
                            mv >= tv,
                            xr[r, pl.ds(j, LANES)],
                            x1r[r, pl.ds(j, LANES)],
                        )

                pltpu.async_copy(ob[b], out_hbm.at[pl.ds(row, R), :], out_sem[b])

                @pl.when(c + NBUF < n_chunks)
                def _():
                    start_in(c + NBUF, b)

        for b in range(NBUF):
            row = chunk_row(n_chunks - NBUF + b)
            pltpu.make_async_copy(
                ob[b], out_hbm.at[pl.ds(row, R), :], out_sem[b]
            ).wait()

    return run


def kernel(x, x1, mask, threshold):
    B, S, D = x.shape
    rows = B * S
    t16 = jnp.broadcast_to(threshold.astype(jnp.float32), (LANES,))
    run = _build(rows, D)
    out = run(t16, x.reshape(rows, D), x1.reshape(rows, D), mask.reshape(rows, D))
    return out.reshape(B, S, D)

# --- scband reference (transcript-rebuilt; emitter-appended) ---
"""Pipeline reference for scband-feature-exchange-78915729097349 (READ-ONLY COPY).

The authoritative reference and input builder live on the scoring server;
editing this copy changes nothing except your own understanding.
"""

import jax, jax.numpy as jnp
import numpy as np

def setup_inputs(seed: int = 0) -> dict:
    key = jax.random.key(seed)
    k1, k2, k3 = jax.random.split(key, 3)
    x = jax.random.normal(k1, (2, 4096, 2048), dtype=jnp.float32)
    x1 = jax.random.normal(k2, (2, 4096, 2048), dtype=jnp.float32)
    mask = jax.random.normal(k3, (2, 4096, 2048), dtype=jnp.float32)
    threshold = jnp.zeros((), dtype=jnp.float32)
    return {"x": x, "x1": x1, "mask": mask, "threshold": threshold}

def reference(x, x1, mask, threshold):
    # x0 = zeros_like(x); x0[mask >= t] = x[mask >= t]; x0[mask < t] = x1[mask < t]
    # The two boolean-index writes together cover every element exactly once,
    # so this is equivalent to an elementwise select.
    cond = mask >= threshold
    x0 = jnp.where(cond, x, x1)
    return x0

if __name__ == "__main__":
    import jax
    _d = setup_inputs()
    print(jax.jit(kernel)(*tuple(_d.values())))

</pallas_src>

<mosaic_0001>
#map = affine_map<(d0, d1) -> (0)>
#map1 = affine_map<(d0, d1) -> (0, 0)>
module attributes {stable_mosaic.version = 14 : i64} {
  func.func @run(%arg0: i32, %arg1: i32, %arg2: memref<16xf32, #tpu.memory_space<hbm>>, %arg3: memref<8192x2048xf32, #tpu.memory_space<hbm>>, %arg4: memref<8192x2048xf32, #tpu.memory_space<hbm>>, %arg5: memref<8192x2048xf32, #tpu.memory_space<hbm>>, %arg6: memref<8192x2048xf32, #tpu.memory_space<hbm>>, %arg7: memref<16xf32, #tpu.memory_space<vmem>>, %arg8: memref<2x2048xf32, #tpu.memory_space<vmem>>, %arg9: memref<2x2048xf32, #tpu.memory_space<vmem>>, %arg10: memref<2x2048xf32, #tpu.memory_space<vmem>>, %arg11: memref<2x2048xf32, #tpu.memory_space<vmem>>, %arg12: memref<2x2048xf32, #tpu.memory_space<vmem>>, %arg13: memref<2x2048xf32, #tpu.memory_space<vmem>>, %arg14: memref<2x2048xf32, #tpu.memory_space<vmem>>, %arg15: memref<2x2048xf32, #tpu.memory_space<vmem>>, %arg16: memref<2x2048xf32, #tpu.memory_space<vmem>>, %arg17: memref<2x2048xf32, #tpu.memory_space<vmem>>, %arg18: memref<2x2048xf32, #tpu.memory_space<vmem>>, %arg19: memref<2x2048xf32, #tpu.memory_space<vmem>>, %arg20: memref<2x2048xf32, #tpu.memory_space<vmem>>, %arg21: memref<2x2048xf32, #tpu.memory_space<vmem>>, %arg22: memref<2x2048xf32, #tpu.memory_space<vmem>>, %arg23: memref<2x2048xf32, #tpu.memory_space<vmem>>, %arg24: memref<!tpu.dma_semaphore, #tpu.memory_space<semaphore_mem>>, %arg25: memref<!tpu.dma_semaphore, #tpu.memory_space<semaphore_mem>>, %arg26: memref<!tpu.dma_semaphore, #tpu.memory_space<semaphore_mem>>, %arg27: memref<!tpu.dma_semaphore, #tpu.memory_space<semaphore_mem>>, %arg28: memref<!tpu.dma_semaphore, #tpu.memory_space<semaphore_mem>>, %arg29: memref<!tpu.dma_semaphore, #tpu.memory_space<semaphore_mem>>, %arg30: memref<!tpu.dma_semaphore, #tpu.memory_space<semaphore_mem>>, %arg31: memref<!tpu.dma_semaphore, #tpu.memory_space<semaphore_mem>>) attributes {dimension_semantics = [#tpu.dimension_semantics<core_parallel>, #tpu.dimension_semantics<subcore_parallel>], iteration_bounds = array<i64: 2, 16>, scalar_prefetch = 0 : i64, scratch_operands = 25 : i64, tpu.core_type = #tpu.core_type<sc_vector_subcore>, window_params = [{transform_indices = #map}, {transform_indices = #map1}, {transform_indices = #map1}, {transform_indices = #map1}, {transform_indices = #map1}]} {
    %mul3A = arith.constant 2 : i32
    %mul3A_0 = arith.muli %arg1, %mul3A : i32
    %add3A = arith.addi %mul3A_0, %arg0 : i32
    "tpu.region"() ({
      %run_scoped3A = tpu.sem_alloc : memref<!tpu.dma_semaphore, #tpu.memory_space<semaphore_mem>>
      tpu.enqueue_dma source(%arg2 : memref<16xf32, #tpu.memory_space<hbm>>) target(%arg7 : memref<16xf32, #tpu.memory_space<vmem>>) target_semaphore(%run_scoped3A : memref<!tpu.dma_semaphore, #tpu.memory_space<semaphore_mem>>)
      tpu.wait_dma2 semaphore(%run_scoped3A : memref<!tpu.dma_semaphore, #tpu.memory_space<semaphore_mem>>) src(%arg2 : memref<16xf32, #tpu.memory_space<hbm>>) dst(%arg7 : memref<16xf32, #tpu.memory_space<vmem>>)
      tpu.yield
    }) : () -> ()
    %get3A = arith.constant 0 : index
    %get3A_1 = tpu.vector_load %arg7[%get3A] {strides = array<i32>} : memref<16xf32, #tpu.memory_space<vmem>>, vector<16xf32>,
    %get3A_2 = vector.shape_cast %get3A_1 : vector<16xf32> to vector<16xf32>
    %add3A_3 = arith.constant 0 : i32
    %add3A_4 = arith.addi %add3A_3, %add3A : i32
    %mul3A_5 = arith.constant 2 : i32
    %mul3A_6 = arith.muli %add3A_4, %mul3A_5 : i32
    %dma_start3A = arith.constant 0 : i32
    %dma_start3A_7 = tpu.memref_slice %arg3[%mul3A_6, %dma_start3A] : memref<8192x2048xf32, #tpu.memory_space<hbm>> -> memref<2x2048xf32, #tpu.memory_space<hbm>>
    %dma_start3A_8 = arith.constant 0 : i32
    %dma_start3A_9 = tpu.memref_slice %arg3[%mul3A_6, %dma_start3A_8] : memref<8192x2048xf32, #tpu.memory_space<hbm>> -> memref<2x2048xf32, #tpu.memory_space<hbm>>
    tpu.enqueue_dma source(%dma_start3A_9 : memref<2x2048xf32, #tpu.memory_space<hbm>>) target(%arg8 : memref<2x2048xf32, #tpu.memory_space<vmem>>) target_semaphore(%arg24 : memref<!tpu.dma_semaphore, #tpu.memory_space<semaphore_mem>>)
    %dma_start3A_10 = arith.constant 0 : i32
    %dma_start3A_11 = tpu.memref_slice %arg4[%mul3A_6, %dma_start3A_10] : memref<8192x2048xf32, #tpu.memory_space<hbm>> -> memref<2x2048xf32, #tpu.memory_space<hbm>>
    %dma_start3A_12 = arith.constant 0 : i32
    %dma_start3A_13 = tpu.memref_slice %arg4[%mul3A_6, %dma_start3A_12] : memref<8192x2048xf32, #tpu.memory_space<hbm>> -> memref<2x2048xf32, #tpu.memory_space<hbm>>
    tpu.enqueue_dma source(%dma_start3A_13 : memref<2x2048xf32, #tpu.memory_space<hbm>>) target(%arg9 : memref<2x2048xf32, #tpu.memory_space<vmem>>) target_semaphore(%arg24 : memref<!tpu.dma_semaphore, #tpu.memory_space<semaphore_mem>>)
    %dma_start3A_14 = arith.constant 0 : i32
    %dma_start3A_15 = tpu.memref_slice %arg5[%mul3A_6, %dma_start3A_14] : memref<8192x2048xf32, #tpu.memory_space<hbm>> -> memref<2x2048xf32, #tpu.memory_space<hbm>>
    %dma_start3A_16 = arith.constant 0 : i32
    %dma_start3A_17 = tpu.memref_slice %arg5[%mul3A_6, %dma_start3A_16] : memref<8192x2048xf32, #tpu.memory_space<hbm>> -> memref<2x2048xf32, #tpu.memory_space<hbm>>
    tpu.enqueue_dma source(%dma_start3A_17 : memref<2x2048xf32, #tpu.memory_space<hbm>>) target(%arg10 : memref<2x2048xf32, #tpu.memory_space<vmem>>) target_semaphore(%arg24 : memref<!tpu.dma_semaphore, #tpu.memory_space<semaphore_mem>>)
    %add3A_18 = arith.constant 32 : i32
    %add3A_19 = arith.addi %add3A_18, %add3A : i32
    %mul3A_20 = arith.constant 2 : i32
    %mul3A_21 = arith.muli %add3A_19, %mul3A_20 : i32
    %dma_start3A_22 = arith.constant 0 : i32
    %dma_start3A_23 = tpu.memref_slice %arg3[%mul3A_21, %dma_start3A_22] : memref<8192x2048xf32, #tpu.memory_space<hbm>> -> memref<2x2048xf32, #tpu.memory_space<hbm>>
    %dma_start3A_24 = arith.constant 0 : i32
    %dma_start3A_25 = tpu.memref_slice %arg3[%mul3A_21, %dma_start3A_24] : memref<8192x2048xf32, #tpu.memory_space<hbm>> -> memref<2x2048xf32, #tpu.memory_space<hbm>>
    tpu.enqueue_dma source(%dma_start3A_25 : memref<2x2048xf32, #tpu.memory_space<hbm>>) target(%arg12 : memref<2x2048xf32, #tpu.memory_space<vmem>>) target_semaphore(%arg25 : memref<!tpu.dma_semaphore, #tpu.memory_space<semaphore_mem>>)
    %dma_start3A_26 = arith.constant 0 : i32
    %dma_start3A_27 = tpu.memref_slice %arg4[%mul3A_21, %dma_start3A_26] : memref<8192x2048xf32, #tpu.memory_space<hbm>> -> memref<2x2048xf32, #tpu.memory_space<hbm>>
    %dma_start3A_28 = arith.constant 0 : i32
    %dma_start3A_29 = tpu.memref_slice %arg4[%mul3A_21, %dma_start3A_28] : memref<8192x2048xf32, #tpu.memory_space<hbm>> -> memref<2x2048xf32, #tpu.memory_space<hbm>>
    tpu.enqueue_dma source(%dma_start3A_29 : memref<2x2048xf32, #tpu.memory_space<hbm>>) target(%arg13 : memref<2x2048xf32, #tpu.memory_space<vmem>>) target_semaphore(%arg25 : memref<!tpu.dma_semaphore, #tpu.memory_space<semaphore_mem>>)
    %dma_start3A_30 = arith.constant 0 : i32
    %dma_start3A_31 = tpu.memref_slice %arg5[%mul3A_21, %dma_start3A_30] : memref<8192x2048xf32, #tpu.memory_space<hbm>> -> memref<2x2048xf32, #tpu.memory_space<hbm>>
    %dma_start3A_32 = arith.constant 0 : i32
    %dma_start3A_33 = tpu.memref_slice %arg5[%mul3A_21, %dma_start3A_32] : memref<8192x2048xf32, #tpu.memory_space<hbm>> -> memref<2x2048xf32, #tpu.memory_space<hbm>>
    tpu.enqueue_dma source(%dma_start3A_33 : memref<2x2048xf32, #tpu.memory_space<hbm>>) target(%arg14 : memref<2x2048xf32, #tpu.memory_space<vmem>>) target_semaphore(%arg25 : memref<!tpu.dma_semaphore, #tpu.memory_space<semaphore_mem>>)
    %add3A_34 = arith.constant 64 : i32
    %add3A_35 = arith.addi %add3A_34, %add3A : i32
    %mul3A_36 = arith.constant 2 : i32
    %mul3A_37 = arith.muli %add3A_35, %mul3A_36 : i32
    %dma_start3A_38 = arith.constant 0 : i32
    %dma_start3A_39 = tpu.memref_slice %arg3[%mul3A_37, %dma_start3A_38] : memref<8192x2048xf32, #tpu.memory_space<hbm>> -> memref<2x2048xf32, #tpu.memory_space<hbm>>
    %dma_start3A_40 = arith.constant 0 : i32
    %dma_start3A_41 = tpu.memref_slice %arg3[%mul3A_37, %dma_start3A_40] : memref<8192x2048xf32, #tpu.memory_space<hbm>> -> memref<2x2048xf32, #tpu.memory_space<hbm>>
    tpu.enqueue_dma source(%dma_start3A_41 : memref<2x2048xf32, #tpu.memory_space<hbm>>) target(%arg16 : memref<2x2048xf32, #tpu.memory_space<vmem>>) target_semaphore(%arg26 : memref<!tpu.dma_semaphore, #tpu.memory_space<semaphore_mem>>)
    %dma_start3A_42 = arith.constant 0 : i32
    %dma_start3A_43 = tpu.memref_slice %arg4[%mul3A_37, %dma_start3A_42] : memref<8192x2048xf32, #tpu.memory_space<hbm>> -> memref<2x2048xf32, #tpu.memory_space<hbm>>
    %dma_start3A_44 = arith.constant 0 : i32
    %dma_start3A_45 = tpu.memref_slice %arg4[%mul3A_37, %dma_start3A_44] : memref<8192x2048xf32, #tpu.memory_space<hbm>> -> memref<2x2048xf32, #tpu.memory_space<hbm>>
    tpu.enqueue_dma source(%dma_start3A_45 : memref<2x2048xf32, #tpu.memory_space<hbm>>) target(%arg17 : memref<2x2048xf32, #tpu.memory_space<vmem>>) target_semaphore(%arg26 : memref<!tpu.dma_semaphore, #tpu.memory_space<semaphore_mem>>)
    %dma_start3A_46 = arith.constant 0 : i32
    %dma_start3A_47 = tpu.memref_slice %arg5[%mul3A_37, %dma_start3A_46] : memref<8192x2048xf32, #tpu.memory_space<hbm>> -> memref<2x2048xf32, #tpu.memory_space<hbm>>
    %dma_start3A_48 = arith.constant 0 : i32
    %dma_start3A_49 = tpu.memref_slice %arg5[%mul3A_37, %dma_start3A_48] : memref<8192x2048xf32, #tpu.memory_space<hbm>> -> memref<2x2048xf32, #tpu.memory_space<hbm>>
    tpu.enqueue_dma source(%dma_start3A_49 : memref<2x2048xf32, #tpu.memory_space<hbm>>) target(%arg18 : memref<2x2048xf32, #tpu.memory_space<vmem>>) target_semaphore(%arg26 : memref<!tpu.dma_semaphore, #tpu.memory_space<semaphore_mem>>)
    %add3A_50 = arith.constant 96 : i32
    %add3A_51 = arith.addi %add3A_50, %add3A : i32
    %mul3A_52 = arith.constant 2 : i32
    %mul3A_53 = arith.muli %add3A_51, %mul3A_52 : i32
    %dma_start3A_54 = arith.constant 0 : i32
    %dma_start3A_55 = tpu.memref_slice %arg3[%mul3A_53, %dma_start3A_54] : memref<8192x2048xf32, #tpu.memory_space<hbm>> -> memref<2x2048xf32, #tpu.memory_space<hbm>>
    %dma_start3A_56 = arith.constant 0 : i32
    %dma_start3A_57 = tpu.memref_slice %arg3[%mul3A_53, %dma_start3A_56] : memref<8192x2048xf32, #tpu.memory_space<hbm>> -> memref<2x2048xf32, #tpu.memory_space<hbm>>
    tpu.enqueue_dma source(%dma_start3A_57 : memref<2x2048xf32, #tpu.memory_space<hbm>>) target(%arg20 : memref<2x2048xf32, #tpu.memory_space<vmem>>) target_semaphore(%arg27 : memref<!tpu.dma_semaphore, #tpu.memory_space<semaphore_mem>>)
    %dma_start3A_58 = arith.constant 0 : i32
    %dma_start3A_59 = tpu.memref_slice %arg4[%mul3A_53, %dma_start3A_58] : memref<8192x2048xf32, #tpu.memory_space<hbm>> -> memref<2x2048xf32, #tpu.memory_space<hbm>>
    %dma_start3A_60 = arith.constant 0 : i32
    %dma_start3A_61 = tpu.memref_slice %arg4[%mul3A_53, %dma_start3A_60] : memref<8192x2048xf32, #tpu.memory_space<hbm>> -> memref<2x2048xf32, #tpu.memory_space<hbm>>
    tpu.enqueue_dma source(%dma_start3A_61 : memref<2x2048xf32, #tpu.memory_space<hbm>>) target(%arg21 : memref<2x2048xf32, #tpu.memory_space<vmem>>) target_semaphore(%arg27 : memref<!tpu.dma_semaphore, #tpu.memory_space<semaphore_mem>>)
    %dma_start3A_62 = arith.constant 0 : i32
    %dma_start3A_63 = tpu.memref_slice %arg5[%mul3A_53, %dma_start3A_62] : memref<8192x2048xf32, #tpu.memory_space<hbm>> -> memref<2x2048xf32, #tpu.memory_space<hbm>>
    %dma_start3A_64 = arith.constant 0 : i32
    %dma_start3A_65 = tpu.memref_slice %arg5[%mul3A_53, %dma_start3A_64] : memref<8192x2048xf32, #tpu.memory_space<hbm>> -> memref<2x2048xf32, #tpu.memory_space<hbm>>
    tpu.enqueue_dma source(%dma_start3A_65 : memref<2x2048xf32, #tpu.memory_space<hbm>>) target(%arg22 : memref<2x2048xf32, #tpu.memory_space<vmem>>) target_semaphore(%arg27 : memref<!tpu.dma_semaphore, #tpu.memory_space<semaphore_mem>>)
    %scan3A = arith.constant 0 : i32
    %scan3A_66 = arith.constant 32 : i32
    %scan3A_67 = arith.addi %scan3A, %scan3A_66 : i32
    %scan3A_68 = arith.constant 1 : i32
    scf.for %scan3A_101 = %scan3A to %scan3A_67 step %scan3A_68  : i32 {
      %mul3A_102 = arith.constant 4 : i32
      %mul3A_103 = arith.muli %scan3A_101, %mul3A_102 : i32
      %add3A_104 = arith.constant 0 : i32
      %add3A_105 = arith.addi %add3A_104, %mul3A_103 : i32
      %add3A_106 = arith.constant 0 : i32
      %add3A_107 = arith.addi %add3A_105, %add3A_106 : i32
      %mul3A_108 = arith.constant 32 : i32
      %mul3A_109 = arith.muli %add3A_107, %mul3A_108 : i32
      %add3A_110 = arith.addi %mul3A_109, %add3A : i32
      %mul3A_111 = arith.constant 2 : i32
      %mul3A_112 = arith.muli %add3A_110, %mul3A_111 : i32
      %mul3A_113 = arith.constant 32 : i32
      %mul3A_114 = arith.muli %add3A_107, %mul3A_113 : i32
      %add3A_115 = arith.addi %mul3A_114, %add3A : i32
      %mul3A_116 = arith.constant 2 : i32
      %mul3A_117 = arith.muli %add3A_115, %mul3A_116 : i32
      %dma_wait3A_118 = arith.constant 0 : i32
      %dma_wait3A_119 = tpu.memref_slice %arg3[%mul3A_117, %dma_wait3A_118] : memref<8192x2048xf32, #tpu.memory_space<hbm>> -> memref<2x2048xf32, #tpu.memory_space<hbm>>
      %dma_wait3A_120 = arith.constant 0 : i32
      %dma_wait3A_121 = tpu.memref_slice %arg3[%mul3A_117, %dma_wait3A_120] : memref<8192x2048xf32, #tpu.memory_space<hbm>> -> memref<2x2048xf32, #tpu.memory_space<hbm>>
      tpu.wait_dma2 semaphore(%arg24 : memref<!tpu.dma_semaphore, #tpu.memory_space<semaphore_mem>>) src(%dma_wait3A_121 : memref<2x2048xf32, #tpu.memory_space<hbm>>) dst(%arg8 : memref<2x2048xf32, #tpu.memory_space<vmem>>)
      %dma_wait3A_122 = arith.constant 0 : i32
      %dma_wait3A_123 = tpu.memref_slice %arg3[%mul3A_117, %dma_wait3A_122] : memref<8192x2048xf32, #tpu.memory_space<hbm>> -> memref<2x2048xf32, #tpu.memory_space<hbm>>
      %dma_wait3A_124 = arith.constant 0 : i32
      %dma_wait3A_125 = tpu.memref_slice %arg3[%mul3A_117, %dma_wait3A_124] : memref<8192x2048xf32, #tpu.memory_space<hbm>> -> memref<2x2048xf32, #tpu.memory_space<hbm>>
      tpu.wait_dma2 semaphore(%arg24 : memref<!tpu.dma_semaphore, #tpu.memory_space<semaphore_mem>>) src(%dma_wait3A_125 : memref<2x2048xf32, #tpu.memory_space<hbm>>) dst(%arg9 : memref<2x2048xf32, #tpu.memory_space<vmem>>)
      %dma_wait3A_126 = arith.constant 0 : i32
      %dma_wait3A_127 = tpu.memref_slice %arg3[%mul3A_117, %dma_wait3A_126] : memref<8192x2048xf32, #tpu.memory_space<hbm>> -> memref<2x2048xf32, #tpu.memory_space<hbm>>
      %dma_wait3A_128 = arith.constant 0 : i32
      %dma_wait3A_129 = tpu.memref_slice %arg3[%mul3A_117, %dma_wait3A_128] : memref<8192x2048xf32, #tpu.memory_space<hbm>> -> memref<2x2048xf32, #tpu.memory_space<hbm>>
      tpu.wait_dma2 semaphore(%arg24 : memref<!tpu.dma_semaphore, #tpu.memory_space<semaphore_mem>>) src(%dma_wait3A_129 : memref<2x2048xf32, #tpu.memory_space<hbm>>) dst(%arg10 : memref<2x2048xf32, #tpu.memory_space<vmem>>)
      %gt3A = arith.constant 0 : i32
      %gt3A_130 = arith.cmpi sgt, %add3A_105, %gt3A : i32
      %convert_element_type3A = arith.extui %gt3A_130 : i1 to i32
      %cond3A = arith.constant 0 : i32
      %cond3A_131 = arith.cmpi ne, %convert_element_type3A, %cond3A : i32
      scf.if %cond3A_131 {
        %dma_wait3A_285 = arith.constant 0 : i32
        %dma_wait3A_286 = tpu.memref_slice %arg6[%mul3A_112, %dma_wait3A_285] : memref<8192x2048xf32, #tpu.memory_space<hbm>> -> memref<2x2048xf32, #tpu.memory_space<hbm>>
        %dma_wait3A_287 = arith.constant 0 : i32
        %dma_wait3A_288 = tpu.memref_slice %arg6[%mul3A_112, %dma_wait3A_287] : memref<8192x2048xf32, #tpu.memory_space<hbm>> -> memref<2x2048xf32, #tpu.memory_space<hbm>>
        tpu.wait_dma2 semaphore(%arg28 : memref<!tpu.dma_semaphore, #tpu.memory_space<semaphore_mem>>) src(%arg11 : memref<2x2048xf32, #tpu.memory_space<vmem>>) dst(%dma_wait3A_288 : memref<2x2048xf32, #tpu.memory_space<hbm>>)
      } else {
      }
      %parallel_loop3A = arith.constant 0 : i32
      %parallel_loop3A_132 = arith.constant 2048 : i32
      %parallel_loop3A_133 = arith.constant 16 : i32
      scf.for %parallel_loop3A_285 = %parallel_loop3A to %parallel_loop3A_132 step %parallel_loop3A_133  : i32 {
        %parallel_loop3A_286 = arith.constant 0 : i32
        %parallel_loop3A_287 = arith.index_cast %parallel_loop3A_286 : i32 to index
        %parallel_loop3A_288 = arith.index_cast %parallel_loop3A_285 : i32 to index
        %parallel_loop3A_289 = tpu.vector_load %arg10[%parallel_loop3A_287, %parallel_loop3A_288] {strides = array<i32>} : memref<2x2048xf32, #tpu.memory_space<vmem>>, vector<1x16xf32>,
        %parallel_loop3A_290 = vector.shape_cast %parallel_loop3A_289 : vector<1x16xf32> to vector<16xf32>
        %parallel_loop3A_291 = arith.cmpf oge, %parallel_loop3A_290, %get3A_2 : vector<16xf32>
        %parallel_loop3A_292 = arith.constant 0 : i32
        %parallel_loop3A_293 = arith.index_cast %parallel_loop3A_292 : i32 to index
        %parallel_loop3A_294 = arith.index_cast %parallel_loop3A_285 : i32 to index
        %parallel_loop3A_295 = tpu.vector_load %arg8[%parallel_loop3A_293, %parallel_loop3A_294] {strides = array<i32>} : memref<2x2048xf32, #tpu.memory_space<vmem>>, vector<1x16xf32>,
        %parallel_loop3A_296 = vector.shape_cast %parallel_loop3A_295 : vector<1x16xf32> to vector<16xf32>
        %parallel_loop3A_297 = arith.constant 0 : i32
        %parallel_loop3A_298 = arith.index_cast %parallel_loop3A_297 : i32 to index
        %parallel_loop3A_299 = arith.index_cast %parallel_loop3A_285 : i32 to index
        %parallel_loop3A_300 = tpu.vector_load %arg9[%parallel_loop3A_298, %parallel_loop3A_299] {strides = array<i32>} : memref<2x2048xf32, #tpu.memory_space<vmem>>, vector<1x16xf32>,
        %parallel_loop3A_301 = vector.shape_cast %parallel_loop3A_300 : vector<1x16xf32> to vector<16xf32>
        %parallel_loop3A_302 = arith.select %parallel_loop3A_291, %parallel_loop3A_296, %parallel_loop3A_301 : vector<16xi1>, vector<16xf32>
        %parallel_loop3A_303 = arith.constant 0 : i32
        %parallel_loop3A_304 = arith.index_cast %parallel_loop3A_303 : i32 to index
        %parallel_loop3A_305 = arith.index_cast %parallel_loop3A_285 : i32 to index
        %parallel_loop3A_306 = tpu.vector_load %arg11[%parallel_loop3A_304, %parallel_loop3A_305] {strides = array<i32>} : memref<2x2048xf32, #tpu.memory_space<vmem>>, vector<1x16xf32>,
        %parallel_loop3A_307 = vector.shape_cast %parallel_loop3A_306 : vector<1x16xf32> to vector<16xf32>
        %parallel_loop3A_308 = vector.shape_cast %parallel_loop3A_302 : vector<16xf32> to vector<1x16xf32>
        tpu.vector_store %arg11[%parallel_loop3A_304, %parallel_loop3A_305], %parallel_loop3A_308 {strides = array<i32>} : memref<2x2048xf32, #tpu.memory_space<vmem>>, vector<1x16xf32>,
      } {sc.loop_unroll_factor = 8 : i64, sc.parallel_access}
      %parallel_loop3A_134 = arith.constant 0 : i32
      %parallel_loop3A_135 = arith.constant 2048 : i32
      %parallel_loop3A_136 = arith.constant 16 : i32
      scf.for %parallel_loop3A_285 = %parallel_loop3A_134 to %parallel_loop3A_135 step %parallel_loop3A_136  : i32 {
        %parallel_loop3A_286 = arith.constant 1 : i32
        %parallel_loop3A_287 = arith.index_cast %parallel_loop3A_286 : i32 to index
        %parallel_loop3A_288 = arith.index_cast %parallel_loop3A_285 : i32 to index
        %parallel_loop3A_289 = tpu.vector_load %arg10[%parallel_loop3A_287, %parallel_loop3A_288] {strides = array<i32>} : memref<2x2048xf32, #tpu.memory_space<vmem>>, vector<1x16xf32>,
        %parallel_loop3A_290 = vector.shape_cast %parallel_loop3A_289 : vector<1x16xf32> to vector<16xf32>
        %parallel_loop3A_291 = arith.cmpf oge, %parallel_loop3A_290, %get3A_2 : vector<16xf32>
        %parallel_loop3A_292 = arith.constant 1 : i32
        %parallel_loop3A_293 = arith.index_cast %parallel_loop3A_292 : i32 to index
        %parallel_loop3A_294 = arith.index_cast %parallel_loop3A_285 : i32 to index
        %parallel_loop3A_295 = tpu.vector_load %arg8[%parallel_loop3A_293, %parallel_loop3A_294] {strides = array<i32>} : memref<2x2048xf32, #tpu.memory_space<vmem>>, vector<1x16xf32>,
        %parallel_loop3A_296 = vector.shape_cast %parallel_loop3A_295 : vector<1x16xf32> to vector<16xf32>
        %parallel_loop3A_297 = arith.constant 1 : i32
        %parallel_loop3A_298 = arith.index_cast %parallel_loop3A_297 : i32 to index
        %parallel_loop3A_299 = arith.index_cast %parallel_loop3A_285 : i32 to index
        %parallel_loop3A_300 = tpu.vector_load %arg9[%parallel_loop3A_298, %parallel_loop3A_299] {strides = array<i32>} : memref<2x2048xf32, #tpu.memory_space<vmem>>, vector<1x16xf32>,
        %parallel_loop3A_301 = vector.shape_cast %parallel_loop3A_300 : vector<1x16xf32> to vector<16xf32>
        %parallel_loop3A_302 = arith.select %parallel_loop3A_291, %parallel_loop3A_296, %parallel_loop3A_301 : vector<16xi1>, vector<16xf32>
        %parallel_loop3A_303 = arith.constant 1 : i32
        %parallel_loop3A_304 = arith.index_cast %parallel_loop3A_303 : i32 to index
        %parallel_loop3A_305 = arith.index_cast %parallel_loop3A_285 : i32 to index
        %parallel_loop3A_306 = tpu.vector_load %arg11[%parallel_loop3A_304, %parallel_loop3A_305] {strides = array<i32>} : memref<2x2048xf32, #tpu.memory_space<vmem>>, vector<1x16xf32>,
        %parallel_loop3A_307 = vector.shape_cast %parallel_loop3A_306 : vector<1x16xf32> to vector<16xf32>
        %parallel_loop3A_308 = vector.shape_cast %parallel_loop3A_302 : vector<16xf32> to vector<1x16xf32>
        tpu.vector_store %arg11[%parallel_loop3A_304, %parallel_loop3A_305], %parallel_loop3A_308 {strides = array<i32>} : memref<2x2048xf32, #tpu.memory_space<vmem>>, vector<1x16xf32>,
      } {sc.loop_unroll_factor = 8 : i64, sc.parallel_access}
      %dma_start3A_137 = arith.constant 0 : i32
      %dma_start3A_138 = tpu.memref_slice %arg6[%mul3A_112, %dma_start3A_137] : memref<8192x2048xf32, #tpu.memory_space<hbm>> -> memref<2x2048xf32, #tpu.memory_space<hbm>>
      %dma_start3A_139 = arith.constant 0 : i32
      %dma_start3A_140 = tpu.memref_slice %arg6[%mul3A_112, %dma_start3A_139] : memref<8192x2048xf32, #tpu.memory_space<hbm>> -> memref<2x2048xf32, #tpu.memory_space<hbm>>
      tpu.enqueue_dma source(%arg11 : memref<2x2048xf32, #tpu.memory_space<vmem>>) target(%dma_start3A_140 : memref<2x2048xf32, #tpu.memory_space<hbm>>) target_semaphore(%arg28 : memref<!tpu.dma_semaphore, #tpu.memory_space<semaphore_mem>>)
      %add3A_141 = arith.constant 4 : i32
      %add3A_142 = arith.addi %add3A_107, %add3A_141 : i32
      %lt3A = arith.constant 128 : i32
      %lt3A_143 = arith.cmpi slt, %add3A_142, %lt3A : i32
      %convert_element_type3A_144 = arith.extui %lt3A_143 : i1 to i32
      %cond3A_145 = arith.constant 0 : i32
      %cond3A_146 = arith.cmpi ne, %convert_element_type3A_144, %cond3A_145 : i32
      scf.if %cond3A_146 {
        %add3A_285 = arith.constant 4 : i32
        %add3A_286 = arith.addi %add3A_107, %add3A_285 : i32
        %mul3A_287 = arith.constant 32 : i32
        %mul3A_288 = arith.muli %add3A_286, %mul3A_287 : i32
        %add3A_289 = arith.addi %mul3A_288, %add3A : i32
        %mul3A_290 = arith.constant 2 : i32
        %mul3A_291 = arith.muli %add3A_289, %mul3A_290 : i32
        %dma_start3A_292 = arith.constant 0 : i32
        %dma_start3A_293 = tpu.memref_slice %arg3[%mul3A_291, %dma_start3A_292] : memref<8192x2048xf32, #tpu.memory_space<hbm>> -> memref<2x2048xf32, #tpu.memory_space<hbm>>
        %dma_start3A_294 = arith.constant 0 : i32
        %dma_start3A_295 = tpu.memref_slice %arg3[%mul3A_291, %dma_start3A_294] : memref<8192x2048xf32, #tpu.memory_space<hbm>> -> memref<2x2048xf32, #tpu.memory_space<hbm>>
        tpu.enqueue_dma source(%dma_start3A_295 : memref<2x2048xf32, #tpu.memory_space<hbm>>) target(%arg8 : memref<2x2048xf32, #tpu.memory_space<vmem>>) target_semaphore(%arg24 : memref<!tpu.dma_semaphore, #tpu.memory_space<semaphore_mem>>)
        %dma_start3A_296 = arith.constant 0 : i32
        %dma_start3A_297 = tpu.memref_slice %arg4[%mul3A_291, %dma_start3A_296] : memref<8192x2048xf32, #tpu.memory_space<hbm>> -> memref<2x2048xf32, #tpu.memory_space<hbm>>
        %dma_start3A_298 = arith.constant 0 : i32
        %dma_start3A_299 = tpu.memref_slice %arg4[%mul3A_291, %dma_start3A_298] : memref<8192x2048xf32, #tpu.memory_space<hbm>> -> memref<2x2048xf32, #tpu.memory_space<hbm>>
        tpu.enqueue_dma source(%dma_start3A_299 : memref<2x2048xf32, #tpu.memory_space<hbm>>) target(%arg9 : memref<2x2048xf32, #tpu.memory_space<vmem>>) target_semaphore(%arg24 : memref<!tpu.dma_semaphore, #tpu.memory_space<semaphore_mem>>)
        %dma_start3A_300 = arith.constant 0 : i32
        %dma_start3A_301 = tpu.memref_slice %arg5[%mul3A_291, %dma_start3A_300] : memref<8192x2048xf32, #tpu.memory_space<hbm>> -> memref<2x2048xf32, #tpu.memory_space<hbm>>
        %dma_start3A_302 = arith.constant 0 : i32
        %dma_start3A_303 = tpu.memref_slice %arg5[%mul3A_291, %dma_start3A_302] : memref<8192x2048xf32, #tpu.memory_space<hbm>> -> memref<2x2048xf32, #tpu.memory_space<hbm>>
        tpu.enqueue_dma source(%dma_start3A_303 : memref<2x2048xf32, #tpu.memory_space<hbm>>) target(%arg10 : memref<2x2048xf32, #tpu.memory_space<vmem>>) target_semaphore(%arg24 : memref<!tpu.dma_semaphore, #tpu.memory_space<semaphore_mem>>)
      } else {
      }
      %add3A_147 = arith.constant 1 : i32
      %add3A_148 = arith.addi %add3A_105, %add3A_147 : i32
      %mul3A_149 = arith.constant 32 : i32
      %mul3A_150 = arith.muli %add3A_148, %mul3A_149 : i32
      %add3A_151 = arith.addi %mul3A_150, %add3A : i32
      %mul3A_152 = arith.constant 2 : i32
      %mul3A_153 = arith.muli %add3A_151, %mul3A_152 : i32
      %mul3A_154 = arith.constant 32 : i32
      %mul3A_155 = arith.muli %add3A_148, %mul3A_154 : i32
      %add3A_156 = arith.addi %mul3A_155, %add3A : i32
      %mul3A_157 = arith.constant 2 : i32
      %mul3A_158 = arith.muli %add3A_156, %mul3A_157 : i32
      %dma_wait3A_159 = arith.constant 0 : i32
      %dma_wait3A_160 = tpu.memref_slice %arg3[%mul3A_158, %dma_wait3A_159] : memref<8192x2048xf32, #tpu.memory_space<hbm>> -> memref<2x2048xf32, #tpu.memory_space<hbm>>
      %dma_wait3A_161 = arith.constant 0 : i32
      %dma_wait3A_162 = tpu.memref_slice %arg3[%mul3A_158, %dma_wait3A_161] : memref<8192x2048xf32, #tpu.memory_space<hbm>> -> memref<2x2048xf32, #tpu.memory_space<hbm>>
      tpu.wait_dma2 semaphore(%arg25 : memref<!tpu.dma_semaphore, #tpu.memory_space<semaphore_mem>>) src(%dma_wait3A_162 : memref<2x2048xf32, #tpu.memory_space<hbm>>) dst(%arg12 : memref<2x2048xf32, #tpu.memory_space<vmem>>)
      %dma_wait3A_163 = arith.constant 0 : i32
      %dma_wait3A_164 = tpu.memref_slice %arg3[%mul3A_158, %dma_wait3A_163] : memref<8192x2048xf32, #tpu.memory_space<hbm>> -> memref<2x2048xf32, #tpu.memory_space<hbm>>
      %dma_wait3A_165 = arith.constant 0 : i32
      %dma_wait3A_166 = tpu.memref_slice %arg3[%mul3A_158, %dma_wait3A_165] : memref<8192x2048xf32, #tpu.memory_space<hbm>> -> memref<2x2048xf32, #tpu.memory_space<hbm>>
      tpu.wait_dma2 semaphore(%arg25 : memref<!tpu.dma_semaphore, #tpu.memory_space<semaphore_mem>>) src(%dma_wait3A_166 : memref<2x2048xf32, #tpu.memory_space<hbm>>) dst(%arg13 : memref<2x2048xf32, #tpu.memory_space<vmem>>)
      %dma_wait3A_167 = arith.constant 0 : i32
      %dma_wait3A_168 = tpu.memref_slice %arg3[%mul3A_158, %dma_wait3A_167] : memref<8192x2048xf32, #tpu.memory_space<hbm>> -> memref<2x2048xf32, #tpu.memory_space<hbm>>
      %dma_wait3A_169 = arith.constant 0 : i32
      %dma_wait3A_170 = tpu.memref_slice %arg3[%mul3A_158, %dma_wait3A_169] : memref<8192x2048xf32, #tpu.memory_space<hbm>> -> memref<2x2048xf32, #tpu.memory_space<hbm>>
      tpu.wait_dma2 semaphore(%arg25 : memref<!tpu.dma_semaphore, #tpu.memory_space<semaphore_mem>>) src(%dma_wait3A_170 : memref<2x2048xf32, #tpu.memory_space<hbm>>) dst(%arg14 : memref<2x2048xf32, #tpu.memory_space<vmem>>)
      %gt3A_171 = arith.constant 0 : i32
      %gt3A_172 = arith.cmpi sgt, %add3A_105, %gt3A_171 : i32
      %convert_element_type3A_173 = arith.extui %gt3A_172 : i1 to i32
      %cond3A_174 = arith.constant 0 : i32
      %cond3A_175 = arith.cmpi ne, %convert_element_type3A_173, %cond3A_174 : i32
      scf.if %cond3A_175 {
        %dma_wait3A_285 = arith.constant 0 : i32
        %dma_wait3A_286 = tpu.memref_slice %arg6[%mul3A_153, %dma_wait3A_285] : memref<8192x2048xf32, #tpu.memory_space<hbm>> -> memref<2x2048xf32, #tpu.memory_space<hbm>>
        %dma_wait3A_287 = arith.constant 0 : i32
        %dma_wait3A_288 = tpu.memref_slice %arg6[%mul3A_153, %dma_wait3A_287] : memref<8192x2048xf32, #tpu.memory_space<hbm>> -> memref<2x2048xf32, #tpu.memory_space<hbm>>
        tpu.wait_dma2 semaphore(%arg29 : memref<!tpu.dma_semaphore, #tpu.memory_space<semaphore_mem>>) src(%arg15 : memref<2x2048xf32, #tpu.memory_space<vmem>>) dst(%dma_wait3A_288 : memref<2x2048xf32, #tpu.memory_space<hbm>>)
      } else {
      }
      %parallel_loop3A_176 = arith.constant 0 : i32
      %parallel_loop3A_177 = arith.constant 2048 : i32
      %parallel_loop3A_178 = arith.constant 16 : i32
      scf.for %parallel_loop3A_285 = %parallel_loop3A_176 to %parallel_loop3A_177 step %parallel_loop3A_178  : i32 {
        %parallel_loop3A_286 = arith.constant 0 : i32
        %parallel_loop3A_287 = arith.index_cast %parallel_loop3A_286 : i32 to index
        %parallel_loop3A_288 = arith.index_cast %parallel_loop3A_285 : i32 to index
        %parallel_loop3A_289 = tpu.vector_load %arg14[%parallel_loop3A_287, %parallel_loop3A_288] {strides = array<i32>} : memref<2x2048xf32, #tpu.memory_space<vmem>>, vector<1x16xf32>,
        %parallel_loop3A_290 = vector.shape_cast %parallel_loop3A_289 : vector<1x16xf32> to vector<16xf32>
        %parallel_loop3A_291 = arith.cmpf oge, %parallel_loop3A_290, %get3A_2 : vector<16xf32>
        %parallel_loop3A_292 = arith.constant 0 : i32
        %parallel_loop3A_293 = arith.index_cast %parallel_loop3A_292 : i32 to index
        %parallel_loop3A_294 = arith.index_cast %parallel_loop3A_285 : i32 to index
        %parallel_loop3A_295 = tpu.vector_load %arg12[%parallel_loop3A_293, %parallel_loop3A_294] {strides = array<i32>} : memref<2x2048xf32, #tpu.memory_space<vmem>>, vector<1x16xf32>,
        %parallel_loop3A_296 = vector.shape_cast %parallel_loop3A_295 : vector<1x16xf32> to vector<16xf32>
        %parallel_loop3A_297 = arith.constant 0 : i32
        %parallel_loop3A_298 = arith.index_cast %parallel_loop3A_297 : i32 to index
        %parallel_loop3A_299 = arith.index_cast %parallel_loop3A_285 : i32 to index
        %parallel_loop3A_300 = tpu.vector_load %arg13[%parallel_loop3A_298, %parallel_loop3A_299] {strides = array<i32>} : memref<2x2048xf32, #tpu.memory_space<vmem>>, vector<1x16xf32>,
        %parallel_loop3A_301 = vector.shape_cast %parallel_loop3A_300 : vector<1x16xf32> to vector<16xf32>
        %parallel_loop3A_302 = arith.select %parallel_loop3A_291, %parallel_loop3A_296, %parallel_loop3A_301 : vector<16xi1>, vector<16xf32>
        %parallel_loop3A_303 = arith.constant 0 : i32
        %parallel_loop3A_304 = arith.index_cast %parallel_loop3A_303 : i32 to index
        %parallel_loop3A_305 = arith.index_cast %parallel_loop3A_285 : i32 to index
        %parallel_loop3A_306 = tpu.vector_load %arg15[%parallel_loop3A_304, %parallel_loop3A_305] {strides = array<i32>} : memref<2x2048xf32, #tpu.memory_space<vmem>>, vector<1x16xf32>,
        %parallel_loop3A_307 = vector.shape_cast %parallel_loop3A_306 : vector<1x16xf32> to vector<16xf32>
        %parallel_loop3A_308 = vector.shape_cast %parallel_loop3A_302 : vector<16xf32> to vector<1x16xf32>
        tpu.vector_store %arg15[%parallel_loop3A_304, %parallel_loop3A_305], %parallel_loop3A_308 {strides = array<i32>} : memref<2x2048xf32, #tpu.memory_space<vmem>>, vector<1x16xf32>,
      } {sc.loop_unroll_factor = 8 : i64, sc.parallel_access}
      %parallel_loop3A_179 = arith.constant 0 : i32
      %parallel_loop3A_180 = arith.constant 2048 : i32
      %parallel_loop3A_181 = arith.constant 16 : i32
      scf.for %parallel_loop3A_285 = %parallel_loop3A_179 to %parallel_loop3A_180 step %parallel_loop3A_181  : i32 {
        %parallel_loop3A_286 = arith.constant 1 : i32
        %parallel_loop3A_287 = arith.index_cast %parallel_loop3A_286 : i32 to index
        %parallel_loop3A_288 = arith.index_cast %parallel_loop3A_285 : i32 to index
        %parallel_loop3A_289 = tpu.vector_load %arg14[%parallel_loop3A_287, %parallel_loop3A_288] {strides = array<i32>} : memref<2x2048xf32, #tpu.memory_space<vmem>>, vector<1x16xf32>,
        %parallel_loop3A_290 = vector.shape_cast %parallel_loop3A_289 : vector<1x16xf32> to vector<16xf32>
        %parallel_loop3A_291 = arith.cmpf oge, %parallel_loop3A_290, %get3A_2 : vector<16xf32>
        %parallel_loop3A_292 = arith.constant 1 : i32
        %parallel_loop3A_293 = arith.index_cast %parallel_loop3A_292 : i32 to index
        %parallel_loop3A_294 = arith.index_cast %parallel_loop3A_285 : i32 to index
        %parallel_loop3A_295 = tpu.vector_load %arg12[%parallel_loop3A_293, %parallel_loop3A_294] {strides = array<i32>} : memref<2x2048xf32, #tpu.memory_space<vmem>>, vector<1x16xf32>,
        %parallel_loop3A_296 = vector.shape_cast %parallel_loop3A_295 : vector<1x16xf32> to vector<16xf32>
        %parallel_loop3A_297 = arith.constant 1 : i32
        %parallel_loop3A_298 = arith.index_cast %parallel_loop3A_297 : i32 to index
        %parallel_loop3A_299 = arith.index_cast %parallel_loop3A_285 : i32 to index
        %parallel_loop3A_300 = tpu.vector_load %arg13[%parallel_loop3A_298, %parallel_loop3A_299] {strides = array<i32>} : memref<2x2048xf32, #tpu.memory_space<vmem>>, vector<1x16xf32>,
        %parallel_loop3A_301 = vector.shape_cast %parallel_loop3A_300 : vector<1x16xf32> to vector<16xf32>
        %parallel_loop3A_302 = arith.select %parallel_loop3A_291, %parallel_loop3A_296, %parallel_loop3A_301 : vector<16xi1>, vector<16xf32>
        %parallel_loop3A_303 = arith.constant 1 : i32
        %parallel_loop3A_304 = arith.index_cast %parallel_loop3A_303 : i32 to index
        %parallel_loop3A_305 = arith.index_cast %parallel_loop3A_285 : i32 to index
        %parallel_loop3A_306 = tpu.vector_load %arg15[%parallel_loop3A_304, %parallel_loop3A_305] {strides = array<i32>} : memref<2x2048xf32, #tpu.memory_space<vmem>>, vector<1x16xf32>,
        %parallel_loop3A_307 = vector.shape_cast %parallel_loop3A_306 : vector<1x16xf32> to vector<16xf32>
        %parallel_loop3A_308 = vector.shape_cast %parallel_loop3A_302 : vector<16xf32> to vector<1x16xf32>
        tpu.vector_store %arg15[%parallel_loop3A_304, %parallel_loop3A_305], %parallel_loop3A_308 {strides = array<i32>} : memref<2x2048xf32, #tpu.memory_space<vmem>>, vector<1x16xf32>,
      } {sc.loop_unroll_factor = 8 : i64, sc.parallel_access}
      %dma_start3A_182 = arith.constant 0 : i32
      %dma_start3A_183 = tpu.memref_slice %arg6[%mul3A_153, %dma_start3A_182] : memref<8192x2048xf32, #tpu.memory_space<hbm>> -> memref<2x2048xf32, #tpu.memory_space<hbm>>
      %dma_start3A_184 = arith.constant 0 : i32
      %dma_start3A_185 = tpu.memref_slice %arg6[%mul3A_153, %dma_start3A_184] : memref<8192x2048xf32, #tpu.memory_space<hbm>> -> memref<2x2048xf32, #tpu.memory_space<hbm>>
      tpu.enqueue_dma source(%arg15 : memref<2x2048xf32, #tpu.memory_space<vmem>>) target(%dma_start3A_185 : memref<2x2048xf32, #tpu.memory_space<hbm>>) target_semaphore(%arg29 : memref<!tpu.dma_semaphore, #tpu.memory_space<semaphore_mem>>)
      %add3A_186 = arith.constant 4 : i32
      %add3A_187 = arith.addi %add3A_148, %add3A_186 : i32
      %lt3A_188 = arith.constant 128 : i32
      %lt3A_189 = arith.cmpi slt, %add3A_187, %lt3A_188 : i32
      %convert_element_type3A_190 = arith.extui %lt3A_189 : i1 to i32
      %cond3A_191 = arith.constant 0 : i32
      %cond3A_192 = arith.cmpi ne, %convert_element_type3A_190, %cond3A_191 : i32
      scf.if %cond3A_192 {
        %add3A_285 = arith.constant 4 : i32
        %add3A_286 = arith.addi %add3A_148, %add3A_285 : i32
        %mul3A_287 = arith.constant 32 : i32
        %mul3A_288 = arith.muli %add3A_286, %mul3A_287 : i32
        %add3A_289 = arith.addi %mul3A_288, %add3A : i32
        %mul3A_290 = arith.constant 2 : i32
        %mul3A_291 = arith.muli %add3A_289, %mul3A_290 : i32
        %dma_start3A_292 = arith.constant 0 : i32
        %dma_start3A_293 = tpu.memref_slice %arg3[%mul3A_291, %dma_start3A_292] : memref<8192x2048xf32, #tpu.memory_space<hbm>> -> memref<2x2048xf32, #tpu.memory_space<hbm>>
        %dma_start3A_294 = arith.constant 0 : i32
        %dma_start3A_295 = tpu.memref_slice %arg3[%mul3A_291, %dma_start3A_294] : memref<8192x2048xf32, #tpu.memory_space<hbm>> -> memref<2x2048xf32, #tpu.memory_space<hbm>>
        tpu.enqueue_dma source(%dma_start3A_295 : memref<2x2048xf32, #tpu.memory_space<hbm>>) target(%arg12 : memref<2x2048xf32, #tpu.memory_space<vmem>>) target_semaphore(%arg25 : memref<!tpu.dma_semaphore, #tpu.memory_space<semaphore_mem>>)
        %dma_start3A_296 = arith.constant 0 : i32
        %dma_start3A_297 = tpu.memref_slice %arg4[%mul3A_291, %dma_start3A_296] : memref<8192x2048xf32, #tpu.memory_space<hbm>> -> memref<2x2048xf32, #tpu.memory_space<hbm>>
        %dma_start3A_298 = arith.constant 0 : i32
        %dma_start3A_299 = tpu.memref_slice %arg4[%mul3A_291, %dma_start3A_298] : memref<8192x2048xf32, #tpu.memory_space<hbm>> -> memref<2x2048xf32, #tpu.memory_space<hbm>>
        tpu.enqueue_dma source(%dma_start3A_299 : memref<2x2048xf32, #tpu.memory_space<hbm>>) target(%arg13 : memref<2x2048xf32, #tpu.memory_space<vmem>>) target_semaphore(%arg25 : memref<!tpu.dma_semaphore, #tpu.memory_space<semaphore_mem>>)
        %dma_start3A_300 = arith.constant 0 : i32
        %dma_start3A_301 = tpu.memref_slice %arg5[%mul3A_291, %dma_start3A_300] : memref<8192x2048xf32, #tpu.memory_space<hbm>> -> memref<2x2048xf32, #tpu.memory_space<hbm>>
        %dma_start3A_302 = arith.constant 0 : i32
        %dma_start3A_303 = tpu.memref_slice %arg5[%mul3A_291, %dma_start3A_302] : memref<8192x2048xf32, #tpu.memory_space<hbm>> -> memref<2x2048xf32, #tpu.memory_space<hbm>>
        tpu.enqueue_dma source(%dma_start3A_303 : memref<2x2048xf32, #tpu.memory_space<hbm>>) target(%arg14 : memref<2x2048xf32, #tpu.memory_space<vmem>>) target_semaphore(%arg25 : memref<!tpu.dma_semaphore, #tpu.memory_space<semaphore_mem>>)
      } else {
      }
      %add3A_193 = arith.constant 2 : i32
      %add3A_194 = arith.addi %add3A_105, %add3A_193 : i32
      %mul3A_195 = arith.constant 32 : i32
      %mul3A_196 = arith.muli %add3A_194, %mul3A_195 : i32
      %add3A_197 = arith.addi %mul3A_196, %add3A : i32
      %mul3A_198 = arith.constant 2 : i32
      %mul3A_199 = arith.muli %add3A_197, %mul3A_198 : i32
      %mul3A_200 = arith.constant 32 : i32
      %mul3A_201 = arith.muli %add3A_194, %mul3A_200 : i32
      %add3A_202 = arith.addi %mul3A_201, %add3A : i32
      %mul3A_203 = arith.constant 2 : i32
      %mul3A_204 = arith.muli %add3A_202, %mul3A_203 : i32
      %dma_wait3A_205 = arith.constant 0 : i32
      %dma_wait3A_206 = tpu.memref_slice %arg3[%mul3A_204, %dma_wait3A_205] : memref<8192x2048xf32, #tpu.memory_space<hbm>> -> memref<2x2048xf32, #tpu.memory_space<hbm>>
      %dma_wait3A_207 = arith.constant 0 : i32
      %dma_wait3A_208 = tpu.memref_slice %arg3[%mul3A_204, %dma_wait3A_207] : memref<8192x2048xf32, #tpu.memory_space<hbm>> -> memref<2x2048xf32, #tpu.memory_space<hbm>>
      tpu.wait_dma2 semaphore(%arg26 : memref<!tpu.dma_semaphore, #tpu.memory_space<semaphore_mem>>) src(%dma_wait3A_208 : memref<2x2048xf32, #tpu.memory_space<hbm>>) dst(%arg16 : memref<2x2048xf32, #tpu.memory_space<vmem>>)
      %dma_wait3A_209 = arith.constant 0 : i32
      %dma_wait3A_210 = tpu.memref_slice %arg3[%mul3A_204, %dma_wait3A_209] : memref<8192x2048xf32, #tpu.memory_space<hbm>> -> memref<2x2048xf32, #tpu.memory_space<hbm>>
      %dma_wait3A_211 = arith.constant 0 : i32
      %dma_wait3A_212 = tpu.memref_slice %arg3[%mul3A_204, %dma_wait3A_211] : memref<8192x2048xf32, #tpu.memory_space<hbm>> -> memref<2x2048xf32, #tpu.memory_space<hbm>>
      tpu.wait_dma2 semaphore(%arg26 : memref<!tpu.dma_semaphore, #tpu.memory_space<semaphore_mem>>) src(%dma_wait3A_212 : memref<2x2048xf32, #tpu.memory_space<hbm>>) dst(%arg17 : memref<2x2048xf32, #tpu.memory_space<vmem>>)
      %dma_wait3A_213 = arith.constant 0 : i32
      %dma_wait3A_214 = tpu.memref_slice %arg3[%mul3A_204, %dma_wait3A_213] : memref<8192x2048xf32, #tpu.memory_space<hbm>> -> memref<2x2048xf32, #tpu.memory_space<hbm>>
      %dma_wait3A_215 = arith.constant 0 : i32
      %dma_wait3A_216 = tpu.memref_slice %arg3[%mul3A_204, %dma_wait3A_215] : memref<8192x2048xf32, #tpu.memory_space<hbm>> -> memref<2x2048xf32, #tpu.memory_space<hbm>>
      tpu.wait_dma2 semaphore(%arg26 : memref<!tpu.dma_semaphore, #tpu.memory_space<semaphore_mem>>) src(%dma_wait3A_216 : memref<2x2048xf32, #tpu.memory_space<hbm>>) dst(%arg18 : memref<2x2048xf32, #tpu.memory_space<vmem>>)
      %gt3A_217 = arith.constant 0 : i32
      %gt3A_218 = arith.cmpi sgt, %add3A_105, %gt3A_217 : i32
      %convert_element_type3A_219 = arith.extui %gt3A_218 : i1 to i32
      %cond3A_220 = arith.constant 0 : i32
      %cond3A_221 = arith.cmpi ne, %convert_element_type3A_219, %cond3A_220 : i32
      scf.if %cond3A_221 {
        %dma_wait3A_285 = arith.constant 0 : i32
        %dma_wait3A_286 = tpu.memref_slice %arg6[%mul3A_199, %dma_wait3A_285] : memref<8192x2048xf32, #tpu.memory_space<hbm>> -> memref<2x2048xf32, #tpu.memory_space<hbm>>
        %dma_wait3A_287 = arith.constant 0 : i32
        %dma_wait3A_288 = tpu.memref_slice %arg6[%mul3A_199, %dma_wait3A_287] : memref<8192x2048xf32, #tpu.memory_space<hbm>> -> memref<2x2048xf32, #tpu.memory_space<hbm>>
        tpu.wait_dma2 semaphore(%arg30 : memref<!tpu.dma_semaphore, #tpu.memory_space<semaphore_mem>>) src(%arg19 : memref<2x2048xf32, #tpu.memory_space<vmem>>) dst(%dma_wait3A_288 : memref<2x2048xf32, #tpu.memory_space<hbm>>)
      } else {
      }
      %parallel_loop3A_222 = arith.constant 0 : i32
      %parallel_loop3A_223 = arith.constant 2048 : i32
      %parallel_loop3A_224 = arith.constant 16 : i32
      scf.for %parallel_loop3A_285 = %parallel_loop3A_222 to %parallel_loop3A_223 step %parallel_loop3A_224  : i32 {
        %parallel_loop3A_286 = arith.constant 0 : i32
        %parallel_loop3A_287 = arith.index_cast %parallel_loop3A_286 : i32 to index
        %parallel_loop3A_288 = arith.index_cast %parallel_loop3A_285 : i32 to index
        %parallel_loop3A_289 = tpu.vector_load %arg18[%parallel_loop3A_287, %parallel_loop3A_288] {strides = array<i32>} : memref<2x2048xf32, #tpu.memory_space<vmem>>, vector<1x16xf32>,
        %parallel_loop3A_290 = vector.shape_cast %parallel_loop3A_289 : vector<1x16xf32> to vector<16xf32>
        %parallel_loop3A_291 = arith.cmpf oge, %parallel_loop3A_290, %get3A_2 : vector<16xf32>
        %parallel_loop3A_292 = arith.constant 0 : i32
        %parallel_loop3A_293 = arith.index_cast %parallel_loop3A_292 : i32 to index
        %parallel_loop3A_294 = arith.index_cast %parallel_loop3A_285 : i32 to index
        %parallel_loop3A_295 = tpu.vector_load %arg16[%parallel_loop3A_293, %parallel_loop3A_294] {strides = array<i32>} : memref<2x2048xf32, #tpu.memory_space<vmem>>, vector<1x16xf32>,
        %parallel_loop3A_296 = vector.shape_cast %parallel_loop3A_295 : vector<1x16xf32> to vector<16xf32>
        %parallel_loop3A_297 = arith.constant 0 : i32
        %parallel_loop3A_298 = arith.index_cast %parallel_loop3A_297 : i32 to index
        %parallel_loop3A_299 = arith.index_cast %parallel_loop3A_285 : i32 to index
        %parallel_loop3A_300 = tpu.vector_load %arg17[%parallel_loop3A_298, %parallel_loop3A_299] {strides = array<i32>} : memref<2x2048xf32, #tpu.memory_space<vmem>>, vector<1x16xf32>,
        %parallel_loop3A_301 = vector.shape_cast %parallel_loop3A_300 : vector<1x16xf32> to vector<16xf32>
        %parallel_loop3A_302 = arith.select %parallel_loop3A_291, %parallel_loop3A_296, %parallel_loop3A_301 : vector<16xi1>, vector<16xf32>
        %parallel_loop3A_303 = arith.constant 0 : i32
        %parallel_loop3A_304 = arith.index_cast %parallel_loop3A_303 : i32 to index
        %parallel_loop3A_305 = arith.index_cast %parallel_loop3A_285 : i32 to index
        %parallel_loop3A_306 = tpu.vector_load %arg19[%parallel_loop3A_304, %parallel_loop3A_305] {strides = array<i32>} : memref<2x2048xf32, #tpu.memory_space<vmem>>, vector<1x16xf32>,
        %parallel_loop3A_307 = vector.shape_cast %parallel_loop3A_306 : vector<1x16xf32> to vector<16xf32>
        %parallel_loop3A_308 = vector.shape_cast %parallel_loop3A_302 : vector<16xf32> to vector<1x16xf32>
        tpu.vector_store %arg19[%parallel_loop3A_304, %parallel_loop3A_305], %parallel_loop3A_308 {strides = array<i32>} : memref<2x2048xf32, #tpu.memory_space<vmem>>, vector<1x16xf32>,
      } {sc.loop_unroll_factor = 8 : i64, sc.parallel_access}
      %parallel_loop3A_225 = arith.constant 0 : i32
      %parallel_loop3A_226 = arith.constant 2048 : i32
      %parallel_loop3A_227 = arith.constant 16 : i32
      scf.for %parallel_loop3A_285 = %parallel_loop3A_225 to %parallel_loop3A_226 step %parallel_loop3A_227  : i32 {
        %parallel_loop3A_286 = arith.constant 1 : i32
        %parallel_loop3A_287 = arith.index_cast %parallel_loop3A_286 : i32 to index
        %parallel_loop3A_288 = arith.index_cast %parallel_loop3A_285 : i32 to index
        %parallel_loop3A_289 = tpu.vector_load %arg18[%parallel_loop3A_287, %parallel_loop3A_288] {strides = array<i32>} : memref<2x2048xf32, #tpu.memory_space<vmem>>, vector<1x16xf32>,
        %parallel_loop3A_290 = vector.shape_cast %parallel_loop3A_289 : vector<1x16xf32> to vector<16xf32>
        %parallel_loop3A_291 = arith.cmpf oge, %parallel_loop3A_290, %get3A_2 : vector<16xf32>
        %parallel_loop3A_292 = arith.constant 1 : i32
        %parallel_loop3A_293 = arith.index_cast %parallel_loop3A_292 : i32 to index
        %parallel_loop3A_294 = arith.index_cast %parallel_loop3A_285 : i32 to index
        %parallel_loop3A_295 = tpu.vector_load %arg16[%parallel_loop3A_293, %parallel_loop3A_294] {strides = array<i32>} : memref<2x2048xf32, #tpu.memory_space<vmem>>, vector<1x16xf32>,
        %parallel_loop3A_296 = vector.shape_cast %parallel_loop3A_295 : vector<1x16xf32> to vector<16xf32>
        %parallel_loop3A_297 = arith.constant 1 : i32
        %parallel_loop3A_298 = arith.index_cast %parallel_loop3A_297 : i32 to index
        %parallel_loop3A_299 = arith.index_cast %parallel_loop3A_285 : i32 to index
        %parallel_loop3A_300 = tpu.vector_load %arg17[%parallel_loop3A_298, %parallel_loop3A_299] {strides = array<i32>} : memref<2x2048xf32, #tpu.memory_space<vmem>>, vector<1x16xf32>,
        %parallel_loop3A_301 = vector.shape_cast %parallel_loop3A_300 : vector<1x16xf32> to vector<16xf32>
        %parallel_loop3A_302 = arith.select %parallel_loop3A_291, %parallel_loop3A_296, %parallel_loop3A_301 : vector<16xi1>, vector<16xf32>
        %parallel_loop3A_303 = arith.constant 1 : i32
        %parallel_loop3A_304 = arith.index_cast %parallel_loop3A_303 : i32 to index
        %parallel_loop3A_305 = arith.index_cast %parallel_loop3A_285 : i32 to index
        %parallel_loop3A_306 = tpu.vector_load %arg19[%parallel_loop3A_304, %parallel_loop3A_305] {strides = array<i32>} : memref<2x2048xf32, #tpu.memory_space<vmem>>, vector<1x16xf32>,
        %parallel_loop3A_307 = vector.shape_cast %parallel_loop3A_306 : vector<1x16xf32> to vector<16xf32>
        %parallel_loop3A_308 = vector.shape_cast %parallel_loop3A_302 : vector<16xf32> to vector<1x16xf32>
        tpu.vector_store %arg19[%parallel_loop3A_304, %parallel_loop3A_305], %parallel_loop3A_308 {strides = array<i32>} : memref<2x2048xf32, #tpu.memory_space<vmem>>, vector<1x16xf32>,
      } {sc.loop_unroll_factor = 8 : i64, sc.parallel_access}
      %dma_start3A_228 = arith.constant 0 : i32
      %dma_start3A_229 = tpu.memref_slice %arg6[%mul3A_199, %dma_start3A_228] : memref<8192x2048xf32, #tpu.memory_space<hbm>> -> memref<2x2048xf32, #tpu.memory_space<hbm>>
      %dma_start3A_230 = arith.constant 0 : i32
      %dma_start3A_231 = tpu.memref_slice %arg6[%mul3A_199, %dma_start3A_230] : memref<8192x2048xf32, #tpu.memory_space<hbm>> -> memref<2x2048xf32, #tpu.memory_space<hbm>>
      tpu.enqueue_dma source(%arg19 : memref<2x2048xf32, #tpu.memory_space<vmem>>) target(%dma_start3A_231 : memref<2x2048xf32, #tpu.memory_space<hbm>>) target_semaphore(%arg30 : memref<!tpu.dma_semaphore, #tpu.memory_space<semaphore_mem>>)
      %add3A_232 = arith.constant 4 : i32
      %add3A_233 = arith.addi %add3A_194, %add3A_232 : i32
      %lt3A_234 = arith.constant 128 : i32
      %lt3A_235 = arith.cmpi slt, %add3A_233, %lt3A_234 : i32
      %convert_element_type3A_236 = arith.extui %lt3A_235 : i1 to i32
      %cond3A_237 = arith.constant 0 : i32
      %cond3A_238 = arith.cmpi ne, %convert_element_type3A_236, %cond3A_237 : i32
      scf.if %cond3A_238 {
        %add3A_285 = arith.constant 4 : i32
        %add3A_286 = arith.addi %add3A_194, %add3A_285 : i32
        %mul3A_287 = arith.constant 32 : i32
        %mul3A_288 = arith.muli %add3A_286, %mul3A_287 : i32
        %add3A_289 = arith.addi %mul3A_288, %add3A : i32
        %mul3A_290 = arith.constant 2 : i32
        %mul3A_291 = arith.muli %add3A_289, %mul3A_290 : i32
        %dma_start3A_292 = arith.constant 0 : i32
        %dma_start3A_293 = tpu.memref_slice %arg3[%mul3A_291, %dma_start3A_292] : memref<8192x2048xf32, #tpu.memory_space<hbm>> -> memref<2x2048xf32, #tpu.memory_space<hbm>>
        %dma_start3A_294 = arith.constant 0 : i32
        %dma_start3A_295 = tpu.memref_slice %arg3[%mul3A_291, %dma_start3A_294] : memref<8192x2048xf32, #tpu.memory_space<hbm>> -> memref<2x2048xf32, #tpu.memory_space<hbm>>
        tpu.enqueue_dma source(%dma_start3A_295 : memref<2x2048xf32, #tpu.memory_space<hbm>>) target(%arg16 : memref<2x2048xf32, #tpu.memory_space<vmem>>) target_semaphore(%arg26 : memref<!tpu.dma_semaphore, #tpu.memory_space<semaphore_mem>>)
        %dma_start3A_296 = arith.constant 0 : i32
        %dma_start3A_297 = tpu.memref_slice %arg4[%mul3A_291, %dma_start3A_296] : memref<8192x2048xf32, #tpu.memory_space<hbm>> -> memref<2x2048xf32, #tpu.memory_space<hbm>>
        %dma_start3A_298 = arith.constant 0 : i32
        %dma_start3A_299 = tpu.memref_slice %arg4[%mul3A_291, %dma_start3A_298] : memref<8192x2048xf32, #tpu.memory_space<hbm>> -> memref<2x2048xf32, #tpu.memory_space<hbm>>
        tpu.enqueue_dma source(%dma_start3A_299 : memref<2x2048xf32, #tpu.memory_space<hbm>>) target(%arg17 : memref<2x2048xf32, #tpu.memory_space<vmem>>) target_semaphore(%arg26 : memref<!tpu.dma_semaphore, #tpu.memory_space<semaphore_mem>>)
        %dma_start3A_300 = arith.constant 0 : i32
        %dma_start3A_301 = tpu.memref_slice %arg5[%mul3A_291, %dma_start3A_300] : memref<8192x2048xf32, #tpu.memory_space<hbm>> -> memref<2x2048xf32, #tpu.memory_space<hbm>>
        %dma_start3A_302 = arith.constant 0 : i32
        %dma_start3A_303 = tpu.memref_slice %arg5[%mul3A_291, %dma_start3A_302] : memref<8192x2048xf32, #tpu.memory_space<hbm>> -> memref<2x2048xf32, #tpu.memory_space<hbm>>
        tpu.enqueue_dma source(%dma_start3A_303 : memref<2x2048xf32, #tpu.memory_space<hbm>>) target(%arg18 : memref<2x2048xf32, #tpu.memory_space<vmem>>) target_semaphore(%arg26 : memref<!tpu.dma_semaphore, #tpu.memory_space<semaphore_mem>>)
      } else {
      }
      %add3A_239 = arith.constant 3 : i32
      %add3A_240 = arith.addi %add3A_105, %add3A_239 : i32
      %mul3A_241 = arith.constant 32 : i32
      %mul3A_242 = arith.muli %add3A_240, %mul3A_241 : i32
      %add3A_243 = arith.addi %mul3A_242, %add3A : i32
      %mul3A_244 = arith.constant 2 : i32
      %mul3A_245 = arith.muli %add3A_243, %mul3A_244 : i32
      %mul3A_246 = arith.constant 32 : i32
      %mul3A_247 = arith.muli %add3A_240, %mul3A_246 : i32
      %add3A_248 = arith.addi %mul3A_247, %add3A : i32
      %mul3A_249 = arith.constant 2 : i32
      %mul3A_250 = arith.muli %add3A_248, %mul3A_249 : i32
      %dma_wait3A_251 = arith.constant 0 : i32
      %dma_wait3A_252 = tpu.memref_slice %arg3[%mul3A_250, %dma_wait3A_251] : memref<8192x2048xf32, #tpu.memory_space<hbm>> -> memref<2x2048xf32, #tpu.memory_space<hbm>>
      %dma_wait3A_253 = arith.constant 0 : i32
      %dma_wait3A_254 = tpu.memref_slice %arg3[%mul3A_250, %dma_wait3A_253] : memref<8192x2048xf32, #tpu.memory_space<hbm>> -> memref<2x2048xf32, #tpu.memory_space<hbm>>
      tpu.wait_dma2 semaphore(%arg27 : memref<!tpu.dma_semaphore, #tpu.memory_space<semaphore_mem>>) src(%dma_wait3A_254 : memref<2x2048xf32, #tpu.memory_space<hbm>>) dst(%arg20 : memref<2x2048xf32, #tpu.memory_space<vmem>>)
      %dma_wait3A_255 = arith.constant 0 : i32
      %dma_wait3A_256 = tpu.memref_slice %arg3[%mul3A_250, %dma_wait3A_255] : memref<8192x2048xf32, #tpu.memory_space<hbm>> -> memref<2x2048xf32, #tpu.memory_space<hbm>>
      %dma_wait3A_257 = arith.constant 0 : i32
      %dma_wait3A_258 = tpu.memref_slice %arg3[%mul3A_250, %dma_wait3A_257] : memref<8192x2048xf32, #tpu.memory_space<hbm>> -> memref<2x2048xf32, #tpu.memory_space<hbm>>
      tpu.wait_dma2 semaphore(%arg27 : memref<!tpu.dma_semaphore, #tpu.memory_space<semaphore_mem>>) src(%dma_wait3A_258 : memref<2x2048xf32, #tpu.memory_space<hbm>>) dst(%arg21 : memref<2x2048xf32, #tpu.memory_space<vmem>>)
      %dma_wait3A_259 = arith.constant 0 : i32
      %dma_wait3A_260 = tpu.memref_slice %arg3[%mul3A_250, %dma_wait3A_259] : memref<8192x2048xf32, #tpu.memory_space<hbm>> -> memref<2x2048xf32, #tpu.memory_space<hbm>>
      %dma_wait3A_261 = arith.constant 0 : i32
      %dma_wait3A_262 = tpu.memref_slice %arg3[%mul3A_250, %dma_wait3A_261] : memref<8192x2048xf32, #tpu.memory_space<hbm>> -> memref<2x2048xf32, #tpu.memory_space<hbm>>
      tpu.wait_dma2 semaphore(%arg27 : memref<!tpu.dma_semaphore, #tpu.memory_space<semaphore_mem>>) src(%dma_wait3A_262 : memref<2x2048xf32, #tpu.memory_space<hbm>>) dst(%arg22 : memref<2x2048xf32, #tpu.memory_space<vmem>>)
      %gt3A_263 = arith.constant 0 : i32
      %gt3A_264 = arith.cmpi sgt, %add3A_105, %gt3A_263 : i32
      %convert_element_type3A_265 = arith.extui %gt3A_264 : i1 to i32
      %cond3A_266 = arith.constant 0 : i32
      %cond3A_267 = arith.cmpi ne, %convert_element_type3A_265, %cond3A_266 : i32
      scf.if %cond3A_267 {
        %dma_wait3A_285 = arith.constant 0 : i32
        %dma_wait3A_286 = tpu.memref_slice %arg6[%mul3A_245, %dma_wait3A_285] : memref<8192x2048xf32, #tpu.memory_space<hbm>> -> memref<2x2048xf32, #tpu.memory_space<hbm>>
        %dma_wait3A_287 = arith.constant 0 : i32
        %dma_wait3A_288 = tpu.memref_slice %arg6[%mul3A_245, %dma_wait3A_287] : memref<8192x2048xf32, #tpu.memory_space<hbm>> -> memref<2x2048xf32, #tpu.memory_space<hbm>>
        tpu.wait_dma2 semaphore(%arg31 : memref<!tpu.dma_semaphore, #tpu.memory_space<semaphore_mem>>) src(%arg23 : memref<2x2048xf32, #tpu.memory_space<vmem>>) dst(%dma_wait3A_288 : memref<2x2048xf32, #tpu.memory_space<hbm>>)
      } else {
      }
      %parallel_loop3A_268 = arith.constant 0 : i32
      %parallel_loop3A_269 = arith.constant 2048 : i32
      %parallel_loop3A_270 = arith.constant 16 : i32
      scf.for %parallel_loop3A_285 = %parallel_loop3A_268 to %parallel_loop3A_269 step %parallel_loop3A_270  : i32 {
        %parallel_loop3A_286 = arith.constant 0 : i32
        %parallel_loop3A_287 = arith.index_cast %parallel_loop3A_286 : i32 to index
        %parallel_loop3A_288 = arith.index_cast %parallel_loop3A_285 : i32 to index
        %parallel_loop3A_289 = tpu.vector_load %arg22[%parallel_loop3A_287, %parallel_loop3A_288] {strides = array<i32>} : memref<2x2048xf32, #tpu.memory_space<vmem>>, vector<1x16xf32>,
        %parallel_loop3A_290 = vector.shape_cast %parallel_loop3A_289 : vector<1x16xf32> to vector<16xf32>
        %parallel_loop3A_291 = arith.cmpf oge, %parallel_loop3A_290, %get3A_2 : vector<16xf32>
        %parallel_loop3A_292 = arith.constant 0 : i32
        %parallel_loop3A_293 = arith.index_cast %parallel_loop3A_292 : i32 to index
        %parallel_loop3A_294 = arith.index_cast %parallel_loop3A_285 : i32 to index
        %parallel_loop3A_295 = tpu.vector_load %arg20[%parallel_loop3A_293, %parallel_loop3A_294] {strides = array<i32>} : memref<2x2048xf32, #tpu.memory_space<vmem>>, vector<1x16xf32>,
        %parallel_loop3A_296 = vector.shape_cast %parallel_loop3A_295 : vector<1x16xf32> to vector<16xf32>
        %parallel_loop3A_297 = arith.constant 0 : i32
        %parallel_loop3A_298 = arith.index_cast %parallel_loop3A_297 : i32 to index
        %parallel_loop3A_299 = arith.index_cast %parallel_loop3A_285 : i32 to index
        %parallel_loop3A_300 = tpu.vector_load %arg21[%parallel_loop3A_298, %parallel_loop3A_299] {strides = array<i32>} : memref<2x2048xf32, #tpu.memory_space<vmem>>, vector<1x16xf32>,
        %parallel_loop3A_301 = vector.shape_cast %parallel_loop3A_300 : vector<1x16xf32> to vector<16xf32>
        %parallel_loop3A_302 = arith.select %parallel_loop3A_291, %parallel_loop3A_296, %parallel_loop3A_301 : vector<16xi1>, vector<16xf32>
        %parallel_loop3A_303 = arith.constant 0 : i32
        %parallel_loop3A_304 = arith.index_cast %parallel_loop3A_303 : i32 to index
        %parallel_loop3A_305 = arith.index_cast %parallel_loop3A_285 : i32 to index
        %parallel_loop3A_306 = tpu.vector_load %arg23[%parallel_loop3A_304, %parallel_loop3A_305] {strides = array<i32>} : memref<2x2048xf32, #tpu.memory_space<vmem>>, vector<1x16xf32>,
        %parallel_loop3A_307 = vector.shape_cast %parallel_loop3A_306 : vector<1x16xf32> to vector<16xf32>
        %parallel_loop3A_308 = vector.shape_cast %parallel_loop3A_302 : vector<16xf32> to vector<1x16xf32>
        tpu.vector_store %arg23[%parallel_loop3A_304, %parallel_loop3A_305], %parallel_loop3A_308 {strides = array<i32>} : memref<2x2048xf32, #tpu.memory_space<vmem>>, vector<1x16xf32>,
      } {sc.loop_unroll_factor = 8 : i64, sc.parallel_access}
      %parallel_loop3A_271 = arith.constant 0 : i32
      %parallel_loop3A_272 = arith.constant 2048 : i32
      %parallel_loop3A_273 = arith.constant 16 : i32
      scf.for %parallel_loop3A_285 = %parallel_loop3A_271 to %parallel_loop3A_272 step %parallel_loop3A_273  : i32 {
        %parallel_loop3A_286 = arith.constant 1 : i32
        %parallel_loop3A_287 = arith.index_cast %parallel_loop3A_286 : i32 to index
        %parallel_loop3A_288 = arith.index_cast %parallel_loop3A_285 : i32 to index
        %parallel_loop3A_289 = tpu.vector_load %arg22[%parallel_loop3A_287, %parallel_loop3A_288] {strides = array<i32>} : memref<2x2048xf32, #tpu.memory_space<vmem>>, vector<1x16xf32>,
        %parallel_loop3A_290 = vector.shape_cast %parallel_loop3A_289 : vector<1x16xf32> to vector<16xf32>
        %parallel_loop3A_291 = arith.cmpf oge, %parallel_loop3A_290, %get3A_2 : vector<16xf32>
        %parallel_loop3A_292 = arith.constant 1 : i32
        %parallel_loop3A_293 = arith.index_cast %parallel_loop3A_292 : i32 to index
        %parallel_loop3A_294 = arith.index_cast %parallel_loop3A_285 : i32 to index
        %parallel_loop3A_295 = tpu.vector_load %arg20[%parallel_loop3A_293, %parallel_loop3A_294] {strides = array<i32>} : memref<2x2048xf32, #tpu.memory_space<vmem>>, vector<1x16xf32>,
        %parallel_loop3A_296 = vector.shape_cast %parallel_loop3A_295 : vector<1x16xf32> to vector<16xf32>
        %parallel_loop3A_297 = arith.constant 1 : i32
        %parallel_loop3A_298 = arith.index_cast %parallel_loop3A_297 : i32 to index
        %parallel_loop3A_299 = arith.index_cast %parallel_loop3A_285 : i32 to index
        %parallel_loop3A_300 = tpu.vector_load %arg21[%parallel_loop3A_298, %parallel_loop3A_299] {strides = array<i32>} : memref<2x2048xf32, #tpu.memory_space<vmem>>, vector<1x16xf32>,
        %parallel_loop3A_301 = vector.shape_cast %parallel_loop3A_300 : vector<1x16xf32> to vector<16xf32>
        %parallel_loop3A_302 = arith.select %parallel_loop3A_291, %parallel_loop3A_296, %parallel_loop3A_301 : vector<16xi1>, vector<16xf32>
        %parallel_loop3A_303 = arith.constant 1 : i32
        %parallel_loop3A_304 = arith.index_cast %parallel_loop3A_303 : i32 to index
        %parallel_loop3A_305 = arith.index_cast %parallel_loop3A_285 : i32 to index
        %parallel_loop3A_306 = tpu.vector_load %arg23[%parallel_loop3A_304, %parallel_loop3A_305] {strides = array<i32>} : memref<2x2048xf32, #tpu.memory_space<vmem>>, vector<1x16xf32>,
        %parallel_loop3A_307 = vector.shape_cast %parallel_loop3A_306 : vector<1x16xf32> to vector<16xf32>
        %parallel_loop3A_308 = vector.shape_cast %parallel_loop3A_302 : vector<16xf32> to vector<1x16xf32>
        tpu.vector_store %arg23[%parallel_loop3A_304, %parallel_loop3A_305], %parallel_loop3A_308 {strides = array<i32>} : memref<2x2048xf32, #tpu.memory_space<vmem>>, vector<1x16xf32>,
      } {sc.loop_unroll_factor = 8 : i64, sc.parallel_access}
      %dma_start3A_274 = arith.constant 0 : i32
      %dma_start3A_275 = tpu.memref_slice %arg6[%mul3A_245, %dma_start3A_274] : memref<8192x2048xf32, #tpu.memory_space<hbm>> -> memref<2x2048xf32, #tpu.memory_space<hbm>>
      %dma_start3A_276 = arith.constant 0 : i32
      %dma_start3A_277 = tpu.memref_slice %arg6[%mul3A_245, %dma_start3A_276] : memref<8192x2048xf32, #tpu.memory_space<hbm>> -> memref<2x2048xf32, #tpu.memory_space<hbm>>
      tpu.enqueue_dma source(%arg23 : memref<2x2048xf32, #tpu.memory_space<vmem>>) target(%dma_start3A_277 : memref<2x2048xf32, #tpu.memory_space<hbm>>) target_semaphore(%arg31 : memref<!tpu.dma_semaphore, #tpu.memory_space<semaphore_mem>>)
      %add3A_278 = arith.constant 4 : i32
      %add3A_279 = arith.addi %add3A_240, %add3A_278 : i32
      %lt3A_280 = arith.constant 128 : i32
      %lt3A_281 = arith.cmpi slt, %add3A_279, %lt3A_280 : i32
      %convert_element_type3A_282 = arith.extui %lt3A_281 : i1 to i32
      %cond3A_283 = arith.constant 0 : i32
      %cond3A_284 = arith.cmpi ne, %convert_element_type3A_282, %cond3A_283 : i32
      scf.if %cond3A_284 {
        %add3A_285 = arith.constant 4 : i32
        %add3A_286 = arith.addi %add3A_240, %add3A_285 : i32
        %mul3A_287 = arith.constant 32 : i32
        %mul3A_288 = arith.muli %add3A_286, %mul3A_287 : i32
        %add3A_289 = arith.addi %mul3A_288, %add3A : i32
        %mul3A_290 = arith.constant 2 : i32
        %mul3A_291 = arith.muli %add3A_289, %mul3A_290 : i32
        %dma_start3A_292 = arith.constant 0 : i32
        %dma_start3A_293 = tpu.memref_slice %arg3[%mul3A_291, %dma_start3A_292] : memref<8192x2048xf32, #tpu.memory_space<hbm>> -> memref<2x2048xf32, #tpu.memory_space<hbm>>
        %dma_start3A_294 = arith.constant 0 : i32
        %dma_start3A_295 = tpu.memref_slice %arg3[%mul3A_291, %dma_start3A_294] : memref<8192x2048xf32, #tpu.memory_space<hbm>> -> memref<2x2048xf32, #tpu.memory_space<hbm>>
        tpu.enqueue_dma source(%dma_start3A_295 : memref<2x2048xf32, #tpu.memory_space<hbm>>) target(%arg20 : memref<2x2048xf32, #tpu.memory_space<vmem>>) target_semaphore(%arg27 : memref<!tpu.dma_semaphore, #tpu.memory_space<semaphore_mem>>)
        %dma_start3A_296 = arith.constant 0 : i32
        %dma_start3A_297 = tpu.memref_slice %arg4[%mul3A_291, %dma_start3A_296] : memref<8192x2048xf32, #tpu.memory_space<hbm>> -> memref<2x2048xf32, #tpu.memory_space<hbm>>
        %dma_start3A_298 = arith.constant 0 : i32
        %dma_start3A_299 = tpu.memref_slice %arg4[%mul3A_291, %dma_start3A_298] : memref<8192x2048xf32, #tpu.memory_space<hbm>> -> memref<2x2048xf32, #tpu.memory_space<hbm>>
        tpu.enqueue_dma source(%dma_start3A_299 : memref<2x2048xf32, #tpu.memory_space<hbm>>) target(%arg21 : memref<2x2048xf32, #tpu.memory_space<vmem>>) target_semaphore(%arg27 : memref<!tpu.dma_semaphore, #tpu.memory_space<semaphore_mem>>)
        %dma_start3A_300 = arith.constant 0 : i32
        %dma_start3A_301 = tpu.memref_slice %arg5[%mul3A_291, %dma_start3A_300] : memref<8192x2048xf32, #tpu.memory_space<hbm>> -> memref<2x2048xf32, #tpu.memory_space<hbm>>
        %dma_start3A_302 = arith.constant 0 : i32
        %dma_start3A_303 = tpu.memref_slice %arg5[%mul3A_291, %dma_start3A_302] : memref<8192x2048xf32, #tpu.memory_space<hbm>> -> memref<2x2048xf32, #tpu.memory_space<hbm>>
        tpu.enqueue_dma source(%dma_start3A_303 : memref<2x2048xf32, #tpu.memory_space<hbm>>) target(%arg22 : memref<2x2048xf32, #tpu.memory_space<vmem>>) target_semaphore(%arg27 : memref<!tpu.dma_semaphore, #tpu.memory_space<semaphore_mem>>)
      } else {
      }
    }
    %scan3A_69 = arith.constant 32 : i32
    %add3A_70 = arith.constant 3968 : i32
    %add3A_71 = arith.addi %add3A_70, %add3A : i32
    %mul3A_72 = arith.constant 2 : i32
    %mul3A_73 = arith.muli %add3A_71, %mul3A_72 : i32
    %dma_wait3A = arith.constant 0 : i32
    %dma_wait3A_74 = tpu.memref_slice %arg6[%mul3A_73, %dma_wait3A] : memref<8192x2048xf32, #tpu.memory_space<hbm>> -> memref<2x2048xf32, #tpu.memory_space<hbm>>
    %dma_wait3A_75 = arith.constant 0 : i32
    %dma_wait3A_76 = tpu.memref_slice %arg6[%mul3A_73, %dma_wait3A_75] : memref<8192x2048xf32, #tpu.memory_space<hbm>> -> memref<2x2048xf32, #tpu.memory_space<hbm>>
    tpu.wait_dma2 semaphore(%arg28 : memref<!tpu.dma_semaphore, #tpu.memory_space<semaphore_mem>>) src(%arg11 : memref<2x2048xf32, #tpu.memory_space<vmem>>) dst(%dma_wait3A_76 : memref<2x2048xf32, #tpu.memory_space<hbm>>)
    %add3A_77 = arith.constant 4000 : i32
    %add3A_78 = arith.addi %add3A_77, %add3A : i32
    %mul3A_79 = arith.constant 2 : i32
    %mul3A_80 = arith.muli %add3A_78, %mul3A_79 : i32
    %dma_wait3A_81 = arith.constant 0 : i32
    %dma_wait3A_82 = tpu.memref_slice %arg6[%mul3A_80, %dma_wait3A_81] : memref<8192x2048xf32, #tpu.memory_space<hbm>> -> memref<2x2048xf32, #tpu.memory_space<hbm>>
    %dma_wait3A_83 = arith.constant 0 : i32
    %dma_wait3A_84 = tpu.memref_slice %arg6[%mul3A_80, %dma_wait3A_83] : memref<8192x2048xf32, #tpu.memory_space<hbm>> -> memref<2x2048xf32, #tpu.memory_space<hbm>>
    tpu.wait_dma2 semaphore(%arg29 : memref<!tpu.dma_semaphore, #tpu.memory_space<semaphore_mem>>) src(%arg15 : memref<2x2048xf32, #tpu.memory_space<vmem>>) dst(%dma_wait3A_84 : memref<2x2048xf32, #tpu.memory_space<hbm>>)
    %add3A_85 = arith.constant 4032 : i32
    %add3A_86 = arith.addi %add3A_85, %add3A : i32
    %mul3A_87 = arith.constant 2 : i32
    %mul3A_88 = arith.muli %add3A_86, %mul3A_87 : i32
    %dma_wait3A_89 = arith.constant 0 : i32
    %dma_wait3A_90 = tpu.memref_slice %arg6[%mul3A_88, %dma_wait3A_89] : memref<8192x2048xf32, #tpu.memory_space<hbm>> -> memref<2x2048xf32, #tpu.memory_space<hbm>>
    %dma_wait3A_91 = arith.constant 0 : i32
    %dma_wait3A_92 = tpu.memref_slice %arg6[%mul3A_88, %dma_wait3A_91] : memref<8192x2048xf32, #tpu.memory_space<hbm>> -> memref<2x2048xf32, #tpu.memory_space<hbm>>
    tpu.wait_dma2 semaphore(%arg30 : memref<!tpu.dma_semaphore, #tpu.memory_space<semaphore_mem>>) src(%arg19 : memref<2x2048xf32, #tpu.memory_space<vmem>>) dst(%dma_wait3A_92 : memref<2x2048xf32, #tpu.memory_space<hbm>>)
    %add3A_93 = arith.constant 4064 : i32
    %add3A_94 = arith.addi %add3A_93, %add3A : i32
    %mul3A_95 = arith.constant 2 : i32
    %mul3A_96 = arith.muli %add3A_94, %mul3A_95 : i32
    %dma_wait3A_97 = arith.constant 0 : i32
    %dma_wait3A_98 = tpu.memref_slice %arg6[%mul3A_96, %dma_wait3A_97] : memref<8192x2048xf32, #tpu.memory_space<hbm>> -> memref<2x2048xf32, #tpu.memory_space<hbm>>
    %dma_wait3A_99 = arith.constant 0 : i32
    %dma_wait3A_100 = tpu.memref_slice %arg6[%mul3A_96, %dma_wait3A_99] : memref<8192x2048xf32, #tpu.memory_space<hbm>> -> memref<2x2048xf32, #tpu.memory_space<hbm>>
    tpu.wait_dma2 semaphore(%arg31 : memref<!tpu.dma_semaphore, #tpu.memory_space<semaphore_mem>>) src(%arg23 : memref<2x2048xf32, #tpu.memory_space<vmem>>) dst(%dma_wait3A_100 : memref<2x2048xf32, #tpu.memory_space<hbm>>)
    return
  }
}

</mosaic_0001>

<sc_bundles>
// kernel: kernel.3.cloned.1.call-start
scs
__scs_entry_jumppad:
0x0: {  	(pc) =	sbr.rel $0x88, $3  }
0x1: {  	(tag) =	ssettag $0x0;
	lr =	simm.s32 $0x1  }
0x2: {  	[smem:$0x3F9D] =	sst lr;
	_ =	strace $0xD0000000  }
0x3: {  	_ = 	snop  }
0x4: {  	_ = 	snop  }
0x5: {  	_ = 	snop  }
0x6: {  	_ = 	snop  }
0x7: {  	_ = 	snop  }
__scs_overlays_trampoline_lowered:
0x8: {  	[smem:$0x3FAC] =	sst s0  }
0x9: {  	[smem:$0x3FAD] =	sst s1  }
0xa: {  	[smem:$0x3FAE] =	sst s2  }
0xb: {  	[smem:$0x3FAF] =	sst s3  }
0xc: {  	[smem:$0x3FB0] =	sst s4  }
0xd: {  	[smem:$0x3FB1] =	sst s5  }
0xe: {  	[smem:$0x3FB2] =	sst s6  }
0xf: {  	[smem:$0x3FB3] =	sst s7  }
0x10: {  	[smem:$0x3FB4] =	sst s8  }
0x11: {  	[smem:$0x3FB5] =	sst s9;
	s0 =	simm.s32 @!p0 $0x0  }
0x12: {  	s1 =	sld [smem:$0x3F9B];
	s0 =	simm.s32 @p0 $0x1  }
0x13: {  	[smem:$0x3FB6] =	sst s0;
	s0 =	simm.s32 @!p1 $0x0  }
0x14: {  	s2 =	sld [smem:$0x3F9A];
	s0 =	simm.s32 @p1 $0x1  }
0x15: {  	[smem:$0x3FB7] =	sst s0;
	s0 =	simm.s32 @!p2 $0x0  }
0x16: {  	s3 =	sld [smem:$0x3FDB];
	s0 =	simm.s32 @p2 $0x1  }
0x17: {  	s4 =	simm.s32 $0x1BF5;
	[smem:$0x3FB9] =	sst s0  }
0x18: {  	s0 =	sld [smem:$0x3F9C];
	_ =	swait.ge [sflag:s4], $0x0  }
0x19: {  	s7 =	sld [smem:$0x3F9D]  }
0x1a: {  	s8 =	sadd.s32 $0xFFFFE003, lr  }
0x1b: {  	s9 =	sadd.s32 $0xFFFFFEF7, lr;
	s5 =	simm.s32 $0xFFFFFFFF;
	p2 =	slt.u32 s8, $0xFFFFF086  }
0x1c: {  	p1 =	slt.u32 s9, $0xF7A;
	s5 =	simm.s32 @!p2 $0x0  }
0x1d: {  	s5 =	simm.s32 @p1 $0x1;
	p0 =	seq.s32 s7, s2  }
0x1e: {  	s7 =	smul.u32 @!p0 $0xF7A, s2;
	p2 =	seq.s32 @!p0 s5, $0x0  }
0x1f: {  	s9 =	smul.u32 $0xF7A, s1;
	s8 =	simm.s32 @!p0 $0x1BF5;
	p2 =	por !p2, p0  }
0x20: {  	[sflag:s8] =	ssyncset.s32 @!p0 $0xFFFFF086;
	s6 =	sadd.s32 @!p0 s3, s7;
	s7 =	simm.s32 @!p0 $0x108  }
0x21: {  	s3 =	sadd.s32 s3, s9;
	s6 =	sadd.s32 @!p0 $0x88, s6;
	s7 =	simm.s32 @p2 $0x1082  }
0x22: {  	[simem:s7], [sflag:s8] =	dma.local @!p0 [hbm:s6], $0xF7A  }
0x23: {  	s9 =	sor.u32 $0xD0000000, s2;
	s6 =	simm.s32 $0x108;
	_ =	swait.ge @!p0 [sflag:s8], $0x0  }
0x24: {  	s3 =	sadd.s32 $0x88, s3;
	s6 =	simm.s32 @!p1 $0x1082;
	[sflag:s4] =	ssyncset.s32 $0xFFFFF086  }
0x25: {  	[simem:s6], [sflag:s4] =	dma.local [hbm:s3], $0xF7A  }
0x26: {  	[smem:$0x3F9D] =	sst s1;
	(tag) =	ssettag s2;
	_ =	strace s9  }
0x27: {  	s1 =	sld [smem:$0x3FAD]  }
0x28: {  	s2 =	sld [smem:$0x3FAE]  }
0x29: {  	s4 =	sld [smem:$0x3FB0]  }
0x2a: {  	p0 =	seq.s32 s5, $0x0;
	s5 =	sld [smem:$0x3FB1]  }
0x2b: {  	s6 =	sld [smem:$0x3FB2]  }
0x2c: {  	s7 =	sld [smem:$0x3FB3]  }
0x2d: {  	s3 =	simm.s32 $0x108;
	s8 =	sld [smem:$0x3FB4]  }
0x2e: {  	s3 =	simm.s32 @!p0 $0x1082;
	s9 =	sld [smem:$0x3FB5]  }
0x2f: {  	lr =	sadd.s32 s0, s3;
	s0 =	sld [smem:$0x3FAC]  }
0x30: {  	s3 =	sld [smem:$0x3FAF]  }
0x31: {  	[smem:$0x3FB8] =	sst s10  }
0x32: {  	s10 =	sld [smem:$0x3FB6];
	_ =	sdelay $0x3  }
0x33: {  	p0 =	seq.s32 s10, $0x1;
	s10 =	sld [smem:$0x3FB8];
	_ =	sdelay $0x3  }
0x34: {  	[smem:$0x3FB8] =	sst s10  }
0x35: {  	s10 =	sld [smem:$0x3FB7];
	_ =	sdelay $0x3  }
0x36: {  	p1 =	seq.s32 s10, $0x1;
	s10 =	sld [smem:$0x3FB8];
	_ =	sdelay $0x3  }
0x37: {  	[smem:$0x3FB8] =	sst s10  }
0x38: {  	s10 =	sld [smem:$0x3FB9]  }
0x39: {  	_ = 	snop;
	(pc) =	sbr.ind lr, $3  }
0x3a: {  	_ = 	snop  }
0x3b: {  	_ = 	snop  }
0x3c: {  	p2 =	seq.s32 s10, $0x1;
	s10 =	sld [smem:$0x3FB8]  }
0x3d: {  	_ =	shalt  }
0x3e: {  	_ =	shalt  }
0x3f: {  	_ =	shalt  }
0x40: {  	_ =	shalt  }
0x41: {  	_ =	shalt  }
0x42: {  	_ =	shalt  }
0x43: {  	_ =	shalt  }
0x44: {  	_ =	shalt  }
0x45: {  	_ =	shalt  }
0x46: {  	_ =	shalt  }
0x47: {  	_ =	shalt  }
0x48: {  	_ =	shalt  }
0x49: {  	_ =	shalt  }
0x4a: {  	_ =	shalt  }
0x4b: {  	_ =	shalt  }
0x4c: {  	_ =	shalt  }
0x4d: {  	_ =	shalt  }
0x4e: {  	_ =	shalt  }
0x4f: {  	_ =	shalt  }
0x50: {  	_ =	shalt  }
0x51: {  	_ =	shalt  }
0x52: {  	_ =	shalt  }
0x53: {  	_ =	shalt  }
0x54: {  	_ =	shalt  }
0x55: {  	_ =	shalt  }
0x56: {  	_ =	shalt  }
0x57: {  	_ =	shalt  }
0x58: {  	_ =	shalt  }
0x59: {  	_ =	shalt  }
0x5a: {  	_ =	shalt  }
0x5b: {  	_ =	shalt  }
0x5c: {  	_ =	shalt  }
0x5d: {  	_ =	shalt  }
0x5e: {  	_ =	shalt  }
0x5f: {  	_ =	shalt  }
0x60: {  	_ =	shalt  }
0x61: {  	_ =	shalt  }
0x62: {  	_ =	shalt  }
0x63: {  	_ =	shalt  }
0x64: {  	_ =	shalt  }
0x65: {  	_ =	shalt  }
0x66: {  	_ =	shalt  }
0x67: {  	_ =	shalt  }
0x68: {  	_ =	shalt  }
0x69: {  	_ =	shalt  }
0x6a: {  	_ =	shalt  }
0x6b: {  	_ =	shalt  }
0x6c: {  	_ =	shalt  }
0x6d: {  	_ =	shalt  }
0x6e: {  	_ =	shalt  }
0x6f: {  	_ =	shalt  }
0x70: {  	_ =	shalt  }
0x71: {  	_ =	shalt  }
0x72: {  	_ =	shalt  }
0x73: {  	_ =	shalt  }
0x74: {  	_ =	shalt  }
0x75: {  	_ =	shalt  }
0x76: {  	_ =	shalt  }
0x77: {  	_ =	shalt  }
0x78: {  	_ =	shalt  }
0x79: {  	_ =	shalt  }
0x7a: {  	_ =	shalt  }
0x7b: {  	_ =	shalt  }
0x7c: {  	_ =	shalt  }
0x7d: {  	_ =	shalt  }
0x7e: {  	_ =	shalt  }
0x7f: {  	_ =	shalt  }
0x80: {  	_ =	shalt  }
0x81: {  	_ =	shalt  }
0x82: {  	_ =	shalt  }
0x83: {  	_ =	shalt  }
0x84: {  	_ =	shalt  }
0x85: {  	_ =	shalt  }
0x86: {  	_ =	shalt  }
0x87: {  	_ =	shalt  }
.Lfunc_end0:
.L_simem_size_0:
called_computation_lowered:
.L_overlay_start_0:
0x88: {  	s2 =	sld [smem:$0x3FD9]  }
0x89: {  	s3 =	sld [smem:$0x3FFE];
	_ =	sdelay $0x1  }
0x8a: {  	s1 =	srdreg.scid  }
0x8b: {  	s0 =	sand.u32 $0x1, s1  }
0x8c: {  	s17 =	sshll.u32 s0, $0xA;
	s2 =	sadd.s32 s3, s2  }
0x8d: {  	s2 =	sadd.s32 s2, s17  }
0x8e: {  	[smem:$0x3FC4] =	sst s2  }
0x8f: {  	_ = 	snop  }
0x90: {  	s2 =	sld [smem:$0x3FC9]  }
0x91: {  	s18 =	sld [smem:$0x3FC8]  }
0x92: {  	s4 =	sld [smem:$0x3FC7]  }
0x93: {  	s5 =	sld [smem:$0x3FD0];
	(tm) =	ssettm $0x1  }
0x94: {  	s6 =	sld [smem:$0x3FFB];
	_ =	sdelay $0x3  }
0x95: {  	_ =	strace s6  }
0x96: {  	s6 =	sld [smem:$0x3FFC];
	_ =	sdelay $0x3  }
0x97: {  	_ =	strace s6  }
0x98: {  	s6 =	sld [smem:$0x3FFD];
	_ =	sdelay $0x3  }
0x99: {  	_ =	strace s6  }
0x9a: {  	_ =	strace $0x8FFFFFFF  }
0x9b: {  	s19 =	sld [smem:$0x3FDB];
	_ =	sdelay $0x1  }
0x9c: {  	s7 =	simm.s32 $_scs_section_size  }
0x9d: {  	s8 =	simm.s32 $_size__tile_overlayer_lowered;
	s9 =	simm.s32 $_tile_overlayer_lowered  }
0x9e: {  	s22 =	simm.s32 $0x1BFF;
	s21 =	sshll.u32 s9, $0x1;
	s6 =	sadd.s32 s7, s19  }
0x9f: {  	s10 =	simm.s32 $0x0;
	s20 =	sshll.u32 s8, $0x1;
	s8 =	sadd.s32 s21, s6  }
0xa0: {  	[timem:s10], [sflag:s22] =	dma.local [hbm:s8], s20  }
0xa1: {  	_ =	swait.ge [sflag:s22], s20  }
0xa2: {  	s7 =	ssub.s32 $0x0, s20;
	[sflag:s22] =	ssyncset.done $0x0  }
0xa3: {  	[sflag:s22] =	ssyncadd.s32 s7;
	_ =	sdelay $0x1  }
0xa4: {  	s23 =	simm.s32 $0x1B8B  }
0xa5: {  	_ =	swait.ge [sflag:s23], $0x1  }
0xa6: {  	[sflag:s23] =	ssyncset.done $0x0  }
0xa7: {  	s25 =	simm.s32 $0x1B8E;
	s24 =	sld [smem:$0x3FFE];
	[sflag:s23] =	ssyncadd.s32 $0xFFFFFFFF  }
0xa8: {  	s26 =	simm.s32 $execute0_lowered;
	[smem:$0x3FD2] =	sst s25  }
0xa9: {  	s8 =	sshll.u32 s26, $0x1;
	_ =	strace $0x80000046;
	[dreg:$0x1] =	wrdreg $0xFFFFFFFF  }
0xaa: {  	s28 =	simm.s32 $_size_execute0_lowered;
	s6 =	sadd.s32 s6, s8;
	[dreg:$0x0] =	wrdreg $0x0  }
0xab: {  	s8 =	sshll.u32 s28, $0x1;
	[dreg:$0x2] =	wrdreg s6  }
0xac: {  	[dreg:$0x3] =	wrdreg s8  }
0xad: {  	[dreg:$0x4] =	wrdreg $0xC0  }
0xae: {  	_ =	task [dreg:s10], $0x5FFFF  }
0xaf: {  	[dreg:$0x1] =	wrdreg $0xFFFFFFFF  }
0xb0: {  	[dreg:$0x0] =	wrdreg $0x60  }
0xb1: {  	[dreg:$0x2] =	wrdreg s24  }
0xb2: {  	[dreg:$0x3] =	wrdreg s2  }
0xb3: {  	[dreg:$0x4] =	wrdreg s18  }
0xb4: {  	[dreg:$0x5] =	wrdreg s4  }
0xb5: {  	[dreg:$0x6] =	wrdreg s5  }
0xb6: {  	[dreg:$0x7] =	wrdreg $0x9  }
0xb7: {  	_ =	task.clear_ibuf [dreg:s10], $0x8FFFF;
	_ =	strace $0x90000046  }
0xb8: {  	s29 =	simm.s32 $0x9;
	_ =	strace $0x80000048  }
0xb9: {  	_ =	swait.ge [sflag:s29], $0x1  }
0xba: {  	[sflag:s29] =	ssyncadd.s32 $0xFFFFFFFF  }
0xbb: {  	_ =	strace $0x90000048  }
0xbc: {  	_ =	sfence  }
0xbd: {  	s30 =	sld [smem:$0x0];
	_ =	sdelay $0x2  }
0xbe: {  	s31 =	sshll.u32 s1, $0xD;
	s1 =	sshrl.u32 s1, $0x2  }
0xbf: {  	s3 =	sand.u32 $0x4000, s31;
	s1 =	sadd.s32 s1, s30  }
0xc0: {  	s0 =	sor.u32 s3, s0;
	s1 =	sshll.u32 s1, $0x11  }
0xc1: {  	s0 =	sor.u32 s1, s0  }
0xc2: {  	s0 =	sadd.s32 $0x8F2B, s0  }
0xc3: {  	[sflag:s0] =	ssyncadd.remote.s32 $0x1  }
0xc4: {  	_ =	sfence.sel $0xFFFF  }
0xc5: {  	[dreg:$0x0] =	wrdreg $0xFFFFFFFF;
	(pc) =	sbr.abs _section_cstart, $3  }
0xc6: {  	[dreg:$0x1] =	wrdreg $0xFFFFFFFF  }
0xc7: {  	_ =	task.clear_ibuf [dreg:s10], $0x2FFFF;
	_ =	strace $0x9FFFFFFF  }
0xc8: {  	(tm) =	ssettm $0x7FFFFFFF  }
0xc9: {  	_ =	shalt  }
tec
execute0_lowered:
.L_overlay_start_1:
0x0: {  	(tag) =	ssettag $0x1  }
0x1: {  	s0 =	rddreg [dreg:$0x0]  }
0x2: {  	s1 =	rddreg [dreg:$0x1]  }
0x3: {  	s2 =	rddreg [dreg:$0x2]  }
0x4: {  	s3 =	rddreg [dreg:$0x3]  }
0x5: {  	s9 =	rddreg [dreg:$0x4];
	s5 =	simm.s32 $0x0  }
0x6: {  	s4 =	srdreg.scid;
	s7 =	stileid.u32;
	s31 =	simm.s32 $0x100  }
0x7: {  	s11 =	simm.s32 $0x2;
	s13 =	simm.s32 $0x3;
	[smem:$0x7FF] =	sst s5  }
0x8: {  	s4 =	sand.u32 $0x1, s4;
	s6 =	sshll.u32 s7, $0x6;
	s7 =	sshll.u32 s7, $0xA  }
0x9: {  	s14 =	ssub.s32 $0x2, s4;
	s4 =	sshll.u32 s4, $0x5;
	s6 =	sand.u32 $0x40, s6  }
0xa: {  	s7 =	sand.u32 $0x3800, s7;
	s8 =	sshrl.u32 s14, $0x1;
	s4 =	sor.u32 s4, s6  }
0xb: {  	s0 =	sadd.s32 $0x400, s0;
	s15 =	ssub.s32 s14, s8;
	s8 =	sor.u32 s7, s4  }
0xc: {  	_ =	strace $0x80000047;
	[dreg:$0x6] =	wrdreg s0;
	s4 =	sadd.s32 s1, s8  }
0xd: {  	s28 =	sadd.s32 $0x8000, s9;
	s16 =	sadd.s32 s2, s8;
	[dreg:$0x7] =	wrdreg s4  }
0xe: {  	s29 =	sadd.s32 $0xC000, s9;
	s18 =	sadd.s32 s3, s8;
	[dreg:$0x8] =	wrdreg s16  }
0xf: {  	s17 =	sor.u32 $0x4000, s8;
	s0 =	smax.u32 s15, $0x1;
	[dreg:$0x9] =	wrdreg s18  }
0x10: {  	s6 =	simm.s32 $0x0;
	s19 =	sadd.s32 s1, s17;
	[dreg:$0x13] =	wrdreg s0  }
0x11: {  	s14 =	simm.s32 $0xB080;
	s21 =	sadd.s32 s2, s17;
	[dreg:$0xa] =	wrdreg s19  }
0x12: {  	s20 =	sor.u32 $0x8000, s8;
	s4 =	sadd.s32 s3, s17;
	[dreg:$0xb] =	wrdreg s21  }
0x13: {  	s25 =	sor.u32 $0xC000, s8;
	s22 =	sadd.s32 s1, s20;
	[dreg:$0xc] =	wrdreg s4  }
0x14: {  	s15 =	simm.s32 $0x4;
	s23 =	sadd.s32 s2, s20;
	[dreg:$0xd] =	wrdreg s22  }
0x15: {  	s24 =	sadd.s32 s3, s20;
	s26 =	sadd.s32 s1, s25;
	[dreg:$0xe] =	wrdreg s23  }
.Ltmp0:
0x16: {  	s30 =	sadd.s32 s2, s25;
	[dreg:$0xf] =	wrdreg s24;
	(pc) =	sbr.rel .LBB2_1-.Ltmp0, $4  }
0x17: {  	s0 =	simm.s32 $0x400;
	s16 =	simm.s32 $0xF080;
	[dreg:$0x10] =	wrdreg s26  }
0x18: {  	[dreg:$0x11] =	wrdreg s30;
	s4 =	sadd.s32 s3, s25;
	s21 =	sor.u32 $0x10000, s8  }
0x19: {  	s22 =	sor.u32 $0x14000, s8;
	s23 =	sor.u32 $0x18000, s8;
	s24 =	sor.u32 $0x1C000, s8  }
0x1a: {  	s26 =	sadd.s32 $0x4000, s9;
	s9 =	simm.s32 $0x1;
	[dreg:$0x12] =	wrdreg s4  }
.LBB2_20:
0x1b: {  	s4 =	simm.s32 $0x5  }
0x1c: {  	_ =	swait.ge [sflag:s4], $0x1000  }
0x1d: {  	[sflag:s4] =	ssyncset.done $0x0  }
0x1e: {  	s20 =	simm.s32 $0x6;
	[sflag:s4] =	ssyncadd.s32 $0xFFFFF000  }
0x1f: {  	_ =	swait.ge [sflag:s20], $0x1000  }
0x20: {  	[sflag:s20] =	ssyncset.done $0x0  }
0x21: {  	s25 =	simm.s32 $0x7;
	[sflag:s20] =	ssyncadd.s32 $0xFFFFF000  }
0x22: {  	_ =	swait.ge [sflag:s25], $0x1000  }
0x23: {  	[sflag:s25] =	ssyncset.done $0x0  }
0x24: {  	s5 =	simm.s32 $0x8;
	[sflag:s25] =	ssyncadd.s32 $0xFFFFF000  }
0x25: {  	_ =	swait.ge [sflag:s5], $0x1000  }
0x26: {  	s6 =	rddreg [dreg:$0x14]  }
0x27: {  	s30 =	rddreg [dreg:$0x13];
	s6 =	sadd.s32 $0x1, s6  }
0x28: {  	p0 =	sne.s32 s6, s30  }
.Ltmp1:
0x29: {  	_ = 	snop;
	(pc) =	sbr.rel @!p0 .LBB2_21-.Ltmp1, $3  }
0x2a: {  	_ =	sdelay $0x1  }
0x2b: {  	[sflag:s5] =	ssyncset.done $0x0  }
0x2c: {  	[sflag:s5] =	ssyncadd.s32 $0xFFFFF000  }
.LBB2_1:
0x2d: {  	[dreg:$0x14] =	wrdreg s6  }
0x2e: {  	s4 =	simm.s32 $0x0;
	s5 =	rddreg [dreg:$0x6];
	s17 =	simm.s32 $0x9  }
0x2f: {  	[tilespmem:s4], [sflag:$0x9] =	stream.linear.gather [hbm4b:s5+s4], $0x80, $0x38;
	[tilespmem:$0x10080] =	vst v63  }
0x30: {  	_ =	swait.ge [sflag:s17], $0x80  }
0x31: {  	[sflag:s17] =	ssyncset.done $0x0  }
0x32: {  	s19 =	simm.s32 $0x80;
	s18 =	rddreg [dreg:$0x7];
	[sflag:s17] =	ssyncadd.s32 $0xFFFFFF80  }
0x33: {  	v0 =	vld [tilespmem:$0x0];
	[tilespmem:s19], [sflag:$0x1] =	stream.strided.gather [hbm4b:s18+s31], $0x1000, s0, s31, $0x38  }
0x34: {  	s25 =	simm.s32 $0x1080;
	s20 =	rddreg [dreg:$0x8]  }
0x35: {  	[tilespmem:s25], [sflag:$0x1] =	stream.strided.gather [hbm4b:s20+s31], $0x1000, s0, s31, $0x38;
	[tilespmem:$0x10080] =	vst v63  }
0x36: {  	s6 =	simm.s32 $0x2080;
	s5 =	rddreg [dreg:$0x9]  }
0x37: {  	[tilespmem:s6], [sflag:$0x1] =	stream.strided.gather [hbm4b:s5+s31], $0x1000, s0, s31, $0x38;
	[tilespmem:$0x10080] =	vst v63  }
0x38: {  	s10 =	simm.s32 $0x4080;
	s7 =	rddreg [dreg:$0xa]  }
0x39: {  	[tilespmem:s10], [sflag:$0x2] =	stream.strided.gather [hbm4b:s7+s31], $0x1000, s0, s31, $0x38;
	[tilespmem:$0x10080] =	vst v63  }
0x3a: {  	s12 =	rddreg [dreg:$0xb];
	s17 =	simm.s32 $0x5080  }
0x3b: {  	[tilespmem:s17], [sflag:$0x2] =	stream.strided.gather [hbm4b:s12+s31], $0x1000, s0, s31, $0x38;
	[tilespmem:$0x10080] =	vst v63  }
0x3c: {  	s18 =	rddreg [dreg:$0xc];
	s19 =	simm.s32 $0x6080  }
0x3d: {  	[tilespmem:s19], [sflag:$0x2] =	stream.strided.gather [hbm4b:s18+s31], $0x1000, s0, s31, $0x38;
	[tilespmem:$0x10080] =	vst v63  }
0x3e: {  	s20 =	rddreg [dreg:$0xd];
	s25 =	simm.s32 $0x8080  }
0x3f: {  	[tilespmem:s25], [sflag:$0x3] =	stream.strided.gather [hbm4b:s20+s31], $0x1000, s0, s31, $0x38;
	[tilespmem:$0x10080] =	vst v63  }
0x40: {  	s5 =	rddreg [dreg:$0xe];
	s6 =	simm.s32 $0x9080  }
0x41: {  	[tilespmem:s6], [sflag:$0x3] =	stream.strided.gather [hbm4b:s5+s31], $0x1000, s0, s31, $0x38;
	[tilespmem:$0x10080] =	vst v63  }
0x42: {  	s7 =	rddreg [dreg:$0xf];
	s10 =	simm.s32 $0xA080  }
0x43: {  	[tilespmem:s10], [sflag:$0x3] =	stream.strided.gather [hbm4b:s7+s31], $0x1000, s0, s31, $0x38;
	[tilespmem:$0x10080] =	vst v63  }
0x44: {  	s12 =	rddreg [dreg:$0x10];
	s17 =	simm.s32 $0xC080  }
0x45: {  	[tilespmem:s17], [sflag:$0x4] =	stream.strided.gather [hbm4b:s12+s31], $0x1000, s0, s31, $0x38;
	[tilespmem:$0x10080] =	vst v63  }
0x46: {  	s18 =	rddreg [dreg:$0x11];
	s19 =	simm.s32 $0xD080  }
0x47: {  	[tilespmem:s19], [sflag:$0x4] =	stream.strided.gather [hbm4b:s18+s31], $0x1000, s0, s31, $0x38;
	[tilespmem:$0x10080] =	vst v63  }
0x48: {  	s30 =	simm.s32 $0x0;
	s20 =	rddreg [dreg:$0x12];
	s25 =	simm.s32 $0xE080  }
0x49: {  	[tilespmem:s25], [sflag:$0x4] =	stream.strided.gather [hbm4b:s20+s31], $0x1000, s0, s31, $0x38;
	[tilespmem:$0x10080] =	vst v63  }
.LBB2_2:
0x4a: {  	_ =	swait.ge [sflag:s9], $0x1000  }
0x4b: {  	[sflag:s9] =	ssyncset.done $0x0  }
0x4c: {  	[sflag:s9] =	ssyncadd.s32 $0xFFFFF000  }
0x4d: {  	_ =	swait.ge [sflag:s9], $0x1000  }
0x4e: {  	[sflag:s9] =	ssyncset.done $0x0  }
0x4f: {  	[sflag:s9] =	ssyncadd.s32 $0xFFFFF000  }
0x50: {  	_ =	swait.ge [sflag:s9], $0x1000  }
0x51: {  	p0 =	seq.s32 s30, $0x0;
	[sflag:s9] =	ssyncset.done $0x0  }
0x52: {  	s4 =	simm.s32 @!p0 $0x5;
	[sflag:s9] =	ssyncadd.s32 $0xFFFFF000  }
0x53: {  	_ =	swait.ge @!p0 [sflag:s4], $0x1000  }
0x54: {  	[sflag:s4] =	ssyncset.done @!p0 $0x0  }
0x55: {  	s5 =	simm.s32 $0xC0;
	[sflag:s4] =	ssyncadd.s32 @!p0 $0xFFFFF000  }
0x56: {  	s4 =	simm.s32 $0x20C0;
	v1 =	vld [tilespmem:s5+$0x30]  }
0x57: {  	s6 =	simm.s32 $0x10C0;
	v2 =	vld [tilespmem:s4+$0x30]  }
0x58: {  	v3 =	vld [tilespmem:s6+$0x30]  }
0x59: {  	v4 =	vld [tilespmem:s4+$0xFFFFFFD0]  }
0x5a: {  	v5 =	vld [tilespmem:s4+$0xFFFFFFE0]  }
0x5b: {  	v6 =	vld [tilespmem:s4+$0xFFFFFFF0]  }
0x5c: {  	v7 =	vld [tilespmem:s4+$0x0]  }
0x5d: {  	v8 =	vld [tilespmem:s4+$0x10]  }
0x5e: {  	v9 =	vld [tilespmem:s4+$0x20]  }
0x5f: {  	v10 =	vld [tilespmem:s4+$0xFFFFFFC0]  }
0x60: {  	v11 =	vld [tilespmem:s5+$0xFFFFFFC0]  }
0x61: {  	v12 =	vld [tilespmem:s6+$0xFFFFFFC0]  }
0x62: {  	v13 =	vld [tilespmem:s5+$0xFFFFFFD0]  }
0x63: {  	v14 =	vld [tilespmem:s6+$0xFFFFFFD0]  }
0x64: {  	v15 =	vld [tilespmem:s5+$0xFFFFFFE0]  }
0x65: {  	v16 =	vld [tilespmem:s6+$0xFFFFFFE0]  }
0x66: {  	v17 =	vld [tilespmem:s5+$0xFFFFFFF0]  }
0x67: {  	v18 =	vld [tilespmem:s6+$0xFFFFFFF0];
	vm0 =	vge.f32 v2, v0  }
0x68: {  	s7 =	simm.s32 $0x30C0;
	v2 =	vsel vm0, v1, v3;
	vm0 =	vge.f32 v10, v0;
	v1 =	vld [tilespmem:s5+$0x0]  }
0x69: {  	vm1 =	vge.f32 v4, v0;
	v3 =	vld [tilespmem:s6+$0x0];
	v4 =	vsel vm0, v11, v12;
	[tilespmem:s7+$0x30] =	vst v2  }
0x6a: {  	vm0 =	vge.f32 v5, v0;
	v5 =	vsel vm1, v13, v14;
	v2 =	vld [tilespmem:s5+$0x10];
	[tilespmem:s7+$0xFFFFFFC0] =	vst v4  }
0x6b: {  	s17 =	sshll.u32 s30, $0x10;
	s10 =	simm.s32 $0x0;
	vm1 =	vge.f32 v6, v0;
	[tilespmem:s7+$0xFFFFFFD0] =	vst v5;
	v5 =	vsel vm0, v15, v16;
	v4 =	vld [tilespmem:s6+$0x10]  }
0x6c: {  	s20 =	simm.s32 $0x2170;
	s19 =	simm.s32 $0x3170;
	s25 =	simm.s32 $0x1170;
	v6 =	vsel vm1, v17, v18;
	[tilespmem:s7+$0xFFFFFFE0] =	vst v5;
	v5 =	vld [tilespmem:s5+$0x20]  }
0x6d: {  	s12 =	simm.s32 $0x1C0;
	s18 =	sor.u32 s17, s8;
	vm2 =	vge.f32 v7, v0;
	vm1 =	vge.f32 v8, v0;
	vm0 =	vge.f32 v9, v0;
	s5 =	simm.s32 $0x170;
	[tilespmem:s7+$0xFFFFFFF0] =	vst v6;
	v6 =	vld [tilespmem:s6+$0x20]  }
.LBB2_3:
0x6e: {  	v7 =	vld [tilespmem:s12+$0x30];
	v1 =	vsel vm2, v1, v3;
	s4 =	sadd.s32 $0x100, s4  }
0x6f: {  	s10 =	sadd.s32 $0x80, s10;
	s6 =	sadd.s32 $0x100, s6;
	v3 =	vld [tilespmem:s4+$0x30];
	[tilespmem:s7+$0x0] =	vst v1  }
0x70: {  	p1 =	slt.u32 s10, $0x780;
	v1 =	vld [tilespmem:s6+$0x30];
	v2 =	vsel vm1, v2, v4  }
0x71: {  	v4 =	vld [tilespmem:s4+$0xFFFFFFD0];
	[tilespmem:s7+$0x10] =	vst v2  }
0x72: {  	v2 =	vld [tilespmem:s4+$0xFFFFFFE0];
	v5 =	vsel vm0, v5, v6  }
0x73: {  	v6 =	vld [tilespmem:s4+$0xFFFFFFF0];
	[tilespmem:s7+$0x20] =	vst v5  }
0x74: {  	v5 =	vld [tilespmem:s4+$0x0];
	vm0 =	vge.f32 v3, v0  }
0x75: {  	s7 =	sadd.s32 $0x100, s7;
	v3 =	vld [tilespmem:s4+$0x10];
	v1 =	vsel vm0, v7, v1  }
0x76: {  	vm4 =	vge.f32 v4, v0;
	v4 =	vld [tilespmem:s4+$0x20];
	[tilespmem:s7+$0x30] =	vst v1  }
0x77: {  	v1 =	vld [tilespmem:s4+$0xFFFFFFC0];
	vm5 =	vge.f32 v2, v0  }
0x78: {  	v2 =	vld [tilespmem:s12+$0xFFFFFFC0];
	vm3 =	vge.f32 v6, v0  }
0x79: {  	v6 =	vld [tilespmem:s6+$0xFFFFFFC0];
	vm2 =	vge.f32 v5, v0  }
0x7a: {  	v5 =	vld [tilespmem:s12+$0xFFFFFFD0];
	vm1 =	vge.f32 v3, v0  }
0x7b: {  	v3 =	vld [tilespmem:s6+$0xFFFFFFD0];
	vm0 =	vge.f32 v4, v0  }
0x7c: {  	vm6 =	vge.f32 v1, v0;
	v4 =	vld [tilespmem:s12+$0xFFFFFFE0]  }
0x7d: {  	v7 =	vld [tilespmem:s6+$0xFFFFFFE0]  }
0x7e: {  	v1 =	vsel vm6, v2, v6;
	v6 =	vld [tilespmem:s12+$0xFFFFFFF0]  }
0x7f: {  	[tilespmem:s7+$0xFFFFFFC0] =	vst v1;
	v8 =	vld [tilespmem:s6+$0xFFFFFFF0]  }
0x80: {  	v2 =	vsel vm4, v5, v3;
	v1 =	vld [tilespmem:s12+$0x0]  }
.Ltmp2:
0x81: {  	[tilespmem:s7+$0xFFFFFFD0] =	vst v2;
	v3 =	vld [tilespmem:s6+$0x0];
	(pc) =	sbr.rel @p1 .LBB2_3-.Ltmp2, $4  }
0x82: {  	v4 =	vsel vm5, v4, v7;
	v2 =	vld [tilespmem:s12+$0x10]  }
0x83: {  	[tilespmem:s7+$0xFFFFFFE0] =	vst v4;
	v4 =	vld [tilespmem:s6+$0x10]  }
0x84: {  	v6 =	vsel vm3, v6, v8;
	v5 =	vld [tilespmem:s12+$0x20]  }
0x85: {  	s12 =	sadd.s32 $0x100, s12;
	[tilespmem:s7+$0xFFFFFFF0] =	vst v6;
	v6 =	vld [tilespmem:s6+$0x20]  }
0x86: {  	_ =	sdelay $0x1  }
0x87: {  	v1 =	vsel vm2, v1, v3  }
0x88: {  	[tilespmem:s7+$0x0] =	vst v1;
	v1 =	vsel vm1, v2, v4  }
0x89: {  	[tilespmem:s7+$0x10] =	vst v1;
	v1 =	vsel vm0, v5, v6  }
0x8a: {  	[tilespmem:s7+$0x20] =	vst v1  }
0x8b: {  	v1 =	vld [tilespmem:s5+$0x0]  }
0x8c: {  	v2 =	vld [tilespmem:s20+$0x0]  }
0x8d: {  	v3 =	vld [tilespmem:s25+$0x0]  }
0x8e: {  	v4 =	vld [tilespmem:s20+$0xFFFFFFA0]  }
0x8f: {  	v5 =	vld [tilespmem:s20+$0xFFFFFFB0]  }
0x90: {  	v6 =	vld [tilespmem:s20+$0xFFFFFFC0]  }
0x91: {  	v7 =	vld [tilespmem:s20+$0xFFFFFFD0]  }
0x92: {  	v8 =	vld [tilespmem:s20+$0xFFFFFFE0]  }
0x93: {  	v9 =	vld [tilespmem:s20+$0xFFFFFFF0]  }
0x94: {  	v10 =	vld [tilespmem:s20+$0xFFFFFF90]  }
0x95: {  	v11 =	vld [tilespmem:s5+$0xFFFFFF90]  }
0x96: {  	v12 =	vld [tilespmem:s25+$0xFFFFFF90]  }
0x97: {  	v13 =	vld [tilespmem:s5+$0xFFFFFFA0]  }
0x98: {  	v14 =	vld [tilespmem:s25+$0xFFFFFFA0]  }
0x99: {  	v15 =	vld [tilespmem:s5+$0xFFFFFFB0]  }
0x9a: {  	v16 =	vld [tilespmem:s25+$0xFFFFFFB0]  }
0x9b: {  	v17 =	vld [tilespmem:s5+$0xFFFFFFC0]  }
0x9c: {  	v18 =	vld [tilespmem:s25+$0xFFFFFFC0];
	vm0 =	vge.f32 v2, v0  }
0x9d: {  	v2 =	vsel vm0, v1, v3;
	vm0 =	vge.f32 v10, v0;
	v1 =	vld [tilespmem:s5+$0xFFFFFFD0]  }
0x9e: {  	vm1 =	vge.f32 v4, v0;
	v3 =	vld [tilespmem:s25+$0xFFFFFFD0];
	v4 =	vsel vm0, v11, v12;
	[tilespmem:s19+$0x0] =	vst v2  }
0x9f: {  	vm0 =	vge.f32 v5, v0;
	v5 =	vsel vm1, v13, v14;
	v2 =	vld [tilespmem:s5+$0xFFFFFFE0];
	[tilespmem:s19+$0xFFFFFF90] =	vst v4  }
0xa0: {  	vm1 =	vge.f32 v6, v0;
	[tilespmem:s19+$0xFFFFFFA0] =	vst v5;
	v4 =	vsel vm0, v15, v16;
	v5 =	vld [tilespmem:s25+$0xFFFFFFE0]  }
0xa1: {  	v6 =	vsel vm1, v17, v18;
	[tilespmem:s19+$0xFFFFFFB0] =	vst v4;
	v4 =	vld [tilespmem:s5+$0xFFFFFFF0]  }
0xa2: {  	s4 =	simm.s32 $0x0;
	vm2 =	vge.f32 v7, v0;
	vm1 =	vge.f32 v8, v0;
	vm0 =	vge.f32 v9, v0;
	[tilespmem:s19+$0xFFFFFFC0] =	vst v6;
	v6 =	vld [tilespmem:s25+$0xFFFFFFF0];
	s5 =	simm.s32 $0x270  }
.LBB2_5:
0xa3: {  	v7 =	vld [tilespmem:s5+$0x0];
	v1 =	vsel vm2, v1, v3;
	s20 =	sadd.s32 $0x100, s20  }
0xa4: {  	s4 =	sadd.s32 $0x80, s4;
	s25 =	sadd.s32 $0x100, s25;
	v3 =	vld [tilespmem:s20+$0x0];
	[tilespmem:s19+$0xFFFFFFD0] =	vst v1  }
0xa5: {  	p1 =	slt.u32 s4, $0x780;
	v1 =	vld [tilespmem:s25+$0x0];
	v2 =	vsel vm1, v2, v5  }
0xa6: {  	v5 =	vld [tilespmem:s20+$0xFFFFFFA0];
	[tilespmem:s19+$0xFFFFFFE0] =	vst v2  }
0xa7: {  	v2 =	vld [tilespmem:s20+$0xFFFFFFB0];
	v4 =	vsel vm0, v4, v6  }
0xa8: {  	v6 =	vld [tilespmem:s20+$0xFFFFFFC0];
	[tilespmem:s19+$0xFFFFFFF0] =	vst v4  }
0xa9: {  	v4 =	vld [tilespmem:s20+$0xFFFFFFD0];
	vm0 =	vge.f32 v3, v0  }
0xaa: {  	s19 =	sadd.s32 $0x100, s19;
	v3 =	vld [tilespmem:s20+$0xFFFFFFE0];
	v1 =	vsel vm0, v7, v1  }
0xab: {  	vm4 =	vge.f32 v5, v0;
	v5 =	vld [tilespmem:s20+$0xFFFFFFF0];
	[tilespmem:s19+$0x0] =	vst v1  }
0xac: {  	v1 =	vld [tilespmem:s20+$0xFFFFFF90];
	vm5 =	vge.f32 v2, v0  }
0xad: {  	v2 =	vld [tilespmem:s5+$0xFFFFFF90];
	vm3 =	vge.f32 v6, v0  }
0xae: {  	v6 =	vld [tilespmem:s25+$0xFFFFFF90];
	vm2 =	vge.f32 v4, v0  }
0xaf: {  	v4 =	vld [tilespmem:s5+$0xFFFFFFA0];
	vm1 =	vge.f32 v3, v0  }
0xb0: {  	v3 =	vld [tilespmem:s25+$0xFFFFFFA0];
	vm0 =	vge.f32 v5, v0  }
0xb1: {  	vm6 =	vge.f32 v1, v0;
	v5 =	vld [tilespmem:s5+$0xFFFFFFB0]  }
0xb2: {  	v7 =	vld [tilespmem:s25+$0xFFFFFFB0]  }
0xb3: {  	v1 =	vsel vm6, v2, v6;
	v6 =	vld [tilespmem:s5+$0xFFFFFFC0]  }
0xb4: {  	[tilespmem:s19+$0xFFFFFF90] =	vst v1;
	v8 =	vld [tilespmem:s25+$0xFFFFFFC0]  }
0xb5: {  	v2 =	vsel vm4, v4, v3;
	v1 =	vld [tilespmem:s5+$0xFFFFFFD0]  }
.Ltmp3:
0xb6: {  	[tilespmem:s19+$0xFFFFFFA0] =	vst v2;
	v3 =	vld [tilespmem:s25+$0xFFFFFFD0];
	(pc) =	sbr.rel @p1 .LBB2_5-.Ltmp3, $4  }
0xb7: {  	v4 =	vsel vm5, v5, v7;
	v2 =	vld [tilespmem:s5+$0xFFFFFFE0]  }
0xb8: {  	[tilespmem:s19+$0xFFFFFFB0] =	vst v4;
	v5 =	vld [tilespmem:s25+$0xFFFFFFE0]  }
0xb9: {  	v6 =	vsel vm3, v6, v8;
	v4 =	vld [tilespmem:s5+$0xFFFFFFF0]  }
0xba: {  	s5 =	sadd.s32 $0x100, s5;
	[tilespmem:s19+$0xFFFFFFC0] =	vst v6;
	v6 =	vld [tilespmem:s25+$0xFFFFFFF0]  }
0xbb: {  	_ =	sdelay $0x1  }
0xbc: {  	v1 =	vsel vm2, v1, v3  }
0xbd: {  	[tilespmem:s19+$0xFFFFFFD0] =	vst v1;
	v1 =	vsel vm1, v2, v5  }
0xbe: {  	s4 =	rddreg [dreg:$0x4];
	[tilespmem:s19+$0xFFFFFFE0] =	vst v1;
	v1 =	vsel vm0, v4, v6  }
0xbf: {  	s5 =	simm.s32 $0x3080;
	p1 =	seq.s32 s30, $0x1F;
	s4 =	sadd.s32 s4, s18;
	[tilespmem:s19+$0xFFFFFFF0] =	vst v1  }
0xc0: {  	[hbm4b:s4+s31] =	stream.strided.scatter [tilespmem:s5], [sflag:$0x5], $0x1000, s0, s31, $0x38;
	[tilespmem:$0x10080] =	vst v63  }
0xc1: {  	s6 =	simm.s32 @!p1 $0x100;
	s4 =	sadd.s32 @!p1 s21, s17  }
0xc2: {  	s7 =	simm.s32 @!p1 $0x400;
	s10 =	simm.s32 @!p1 $0x80;
	s5 =	sadd.s32 @!p1 s1, s4  }
0xc3: {  	[tilespmem:s10], [sflag:$0x1] =	stream.strided.gather @!p1 [hbm4b:s5+s6], $0x1000, s7, s6, $0x38;
	[tilespmem:$0x10080] =	vst v63  }
0xc4: {  	s5 =	sadd.s32 @!p1 s2, s4;
	s10 =	simm.s32 @!p1 $0x1080  }
0xc5: {  	[tilespmem:s10], [sflag:$0x1] =	stream.strided.gather @!p1 [hbm4b:s5+s6], $0x1000, s7, s6, $0x38;
	[tilespmem:$0x10080] =	vst v63  }
0xc6: {  	s4 =	sadd.s32 @!p1 s3, s4;
	s5 =	simm.s32 @!p1 $0x2080  }
0xc7: {  	[tilespmem:s5], [sflag:$0x1] =	stream.strided.gather @!p1 [hbm4b:s4+s6], $0x1000, s7, s6, $0x38;
	[tilespmem:$0x10080] =	vst v63  }
0xc8: {  	_ =	swait.ge [sflag:s11], $0x1000  }
0xc9: {  	[sflag:s11] =	ssyncset.done $0x0  }
0xca: {  	[sflag:s11] =	ssyncadd.s32 $0xFFFFF000  }
0xcb: {  	_ =	swait.ge [sflag:s11], $0x1000  }
0xcc: {  	[sflag:s11] =	ssyncset.done $0x0  }
0xcd: {  	[sflag:s11] =	ssyncadd.s32 $0xFFFFF000  }
0xce: {  	_ =	swait.ge [sflag:s11], $0x1000  }
0xcf: {  	[sflag:s11] =	ssyncset.done $0x0  }
0xd0: {  	s4 =	simm.s32 @!p0 $0x6;
	[sflag:s11] =	ssyncadd.s32 $0xFFFFF000  }
0xd1: {  	_ =	swait.ge @!p0 [sflag:s4], $0x1000  }
0xd2: {  	[sflag:s4] =	ssyncset.done @!p0 $0x0  }
0xd3: {  	s25 =	simm.s32 $0x40C0;
	[sflag:s4] =	ssyncadd.s32 @!p0 $0xFFFFF000  }
0xd4: {  	s4 =	simm.s32 $0x60C0;
	v1 =	vld [tilespmem:s25+$0x30]  }
0xd5: {  	s6 =	simm.s32 $0x50C0;
	v2 =	vld [tilespmem:s4+$0x30]  }
0xd6: {  	v3 =	vld [tilespmem:s6+$0x30]  }
0xd7: {  	v4 =	vld [tilespmem:s4+$0xFFFFFFD0]  }
0xd8: {  	v5 =	vld [tilespmem:s4+$0xFFFFFFE0]  }
0xd9: {  	v6 =	vld [tilespmem:s4+$0xFFFFFFF0]  }
0xda: {  	v7 =	vld [tilespmem:s4+$0x0]  }
0xdb: {  	v8 =	vld [tilespmem:s4+$0x10]  }
0xdc: {  	v9 =	vld [tilespmem:s4+$0x20]  }
0xdd: {  	v10 =	vld [tilespmem:s4+$0xFFFFFFC0]  }
0xde: {  	v11 =	vld [tilespmem:s25+$0xFFFFFFC0]  }
0xdf: {  	v12 =	vld [tilespmem:s6+$0xFFFFFFC0]  }
0xe0: {  	v13 =	vld [tilespmem:s25+$0xFFFFFFD0]  }
0xe1: {  	v14 =	vld [tilespmem:s6+$0xFFFFFFD0]  }
0xe2: {  	v15 =	vld [tilespmem:s25+$0xFFFFFFE0]  }
0xe3: {  	v16 =	vld [tilespmem:s6+$0xFFFFFFE0]  }
0xe4: {  	v17 =	vld [tilespmem:s25+$0xFFFFFFF0]  }
0xe5: {  	v18 =	vld [tilespmem:s6+$0xFFFFFFF0];
	vm0 =	vge.f32 v2, v0  }
0xe6: {  	s7 =	simm.s32 $0x70C0;
	v2 =	vsel vm0, v1, v3;
	vm0 =	vge.f32 v10, v0;
	v1 =	vld [tilespmem:s25+$0x0]  }
0xe7: {  	vm1 =	vge.f32 v4, v0;
	v3 =	vld [tilespmem:s6+$0x0];
	v4 =	vsel vm0, v11, v12;
	[tilespmem:s7+$0x30] =	vst v2  }
0xe8: {  	vm0 =	vge.f32 v5, v0;
	v5 =	vsel vm1, v13, v14;
	v2 =	vld [tilespmem:s25+$0x10];
	[tilespmem:s7+$0xFFFFFFC0] =	vst v4  }
0xe9: {  	vm1 =	vge.f32 v6, v0;
	[tilespmem:s7+$0xFFFFFFD0] =	vst v5;
	v5 =	vsel vm0, v15, v16;
	v4 =	vld [tilespmem:s6+$0x10]  }
0xea: {  	s20 =	simm.s32 $0x6170;
	s12 =	simm.s32 $0x41C0;
	s19 =	simm.s32 $0x7170;
	v6 =	vsel vm1, v17, v18;
	[tilespmem:s7+$0xFFFFFFE0] =	vst v5;
	v5 =	vld [tilespmem:s25+$0x20]  }
0xeb: {  	s10 =	simm.s32 $0x0;
	s5 =	simm.s32 $0x4170;
	vm2 =	vge.f32 v7, v0;
	vm1 =	vge.f32 v8, v0;
	vm0 =	vge.f32 v9, v0;
	s25 =	simm.s32 $0x5170;
	[tilespmem:s7+$0xFFFFFFF0] =	vst v6;
	v6 =	vld [tilespmem:s6+$0x20]  }
.LBB2_7:
0xec: {  	v7 =	vld [tilespmem:s12+$0x30];
	v1 =	vsel vm2, v1, v3;
	s4 =	sadd.s32 $0x100, s4  }
0xed: {  	s10 =	sadd.s32 $0x80, s10;
	s6 =	sadd.s32 $0x100, s6;
	v3 =	vld [tilespmem:s4+$0x30];
	[tilespmem:s7+$0x0] =	vst v1  }
0xee: {  	p2 =	slt.u32 s10, $0x780;
	v1 =	vld [tilespmem:s6+$0x30];
	v2 =	vsel vm1, v2, v4  }
0xef: {  	v4 =	vld [tilespmem:s4+$0xFFFFFFD0];
	[tilespmem:s7+$0x10] =	vst v2  }
0xf0: {  	v2 =	vld [tilespmem:s4+$0xFFFFFFE0];
	v5 =	vsel vm0, v5, v6  }
0xf1: {  	v6 =	vld [tilespmem:s4+$0xFFFFFFF0];
	[tilespmem:s7+$0x20] =	vst v5  }
0xf2: {  	v5 =	vld [tilespmem:s4+$0x0];
	vm0 =	vge.f32 v3, v0  }
0xf3: {  	s7 =	sadd.s32 $0x100, s7;
	v3 =	vld [tilespmem:s4+$0x10];
	v1 =	vsel vm0, v7, v1  }
0xf4: {  	vm4 =	vge.f32 v4, v0;
	v4 =	vld [tilespmem:s4+$0x20];
	[tilespmem:s7+$0x30] =	vst v1  }
0xf5: {  	v1 =	vld [tilespmem:s4+$0xFFFFFFC0];
	vm5 =	vge.f32 v2, v0  }
0xf6: {  	v2 =	vld [tilespmem:s12+$0xFFFFFFC0];
	vm3 =	vge.f32 v6, v0  }
0xf7: {  	v6 =	vld [tilespmem:s6+$0xFFFFFFC0];
	vm2 =	vge.f32 v5, v0  }
0xf8: {  	v5 =	vld [tilespmem:s12+$0xFFFFFFD0];
	vm1 =	vge.f32 v3, v0  }
0xf9: {  	v3 =	vld [tilespmem:s6+$0xFFFFFFD0];
	vm0 =	vge.f32 v4, v0  }
0xfa: {  	vm6 =	vge.f32 v1, v0;
	v4 =	vld [tilespmem:s12+$0xFFFFFFE0]  }
0xfb: {  	v7 =	vld [tilespmem:s6+$0xFFFFFFE0]  }
0xfc: {  	v1 =	vsel vm6, v2, v6;
	v6 =	vld [tilespmem:s12+$0xFFFFFFF0]  }
0xfd: {  	[tilespmem:s7+$0xFFFFFFC0] =	vst v1;
	v8 =	vld [tilespmem:s6+$0xFFFFFFF0]  }
0xfe: {  	v2 =	vsel vm4, v5, v3;
	v1 =	vld [tilespmem:s12+$0x0]  }
.Ltmp4:
0xff: {  	[tilespmem:s7+$0xFFFFFFD0] =	vst v2;
	v3 =	vld [tilespmem:s6+$0x0];
	(pc) =	sbr.rel @p2 .LBB2_7-.Ltmp4, $4  }
0x100: {  	v4 =	vsel vm5, v4, v7;
	v2 =	vld [tilespmem:s12+$0x10]  }
0x101: {  	[tilespmem:s7+$0xFFFFFFE0] =	vst v4;
	v4 =	vld [tilespmem:s6+$0x10]  }
0x102: {  	v6 =	vsel vm3, v6, v8;
	v5 =	vld [tilespmem:s12+$0x20]  }
0x103: {  	s12 =	sadd.s32 $0x100, s12;
	[tilespmem:s7+$0xFFFFFFF0] =	vst v6;
	v6 =	vld [tilespmem:s6+$0x20]  }
0x104: {  	_ =	sdelay $0x1  }
0x105: {  	v1 =	vsel vm2, v1, v3  }
0x106: {  	[tilespmem:s7+$0x0] =	vst v1;
	v1 =	vsel vm1, v2, v4  }
0x107: {  	[tilespmem:s7+$0x10] =	vst v1;
	v1 =	vsel vm0, v5, v6  }
0x108: {  	[tilespmem:s7+$0x20] =	vst v1  }
0x109: {  	v1 =	vld [tilespmem:s5+$0x0]  }
0x10a: {  	v2 =	vld [tilespmem:s20+$0x0]  }
0x10b: {  	v3 =	vld [tilespmem:s25+$0x0]  }
0x10c: {  	v4 =	vld [tilespmem:s20+$0xFFFFFFA0]  }
0x10d: {  	v5 =	vld [tilespmem:s20+$0xFFFFFFB0]  }
0x10e: {  	v6 =	vld [tilespmem:s20+$0xFFFFFFC0]  }
0x10f: {  	v7 =	vld [tilespmem:s20+$0xFFFFFFD0]  }
0x110: {  	v8 =	vld [tilespmem:s20+$0xFFFFFFE0]  }
0x111: {  	v9 =	vld [tilespmem:s20+$0xFFFFFFF0]  }
0x112: {  	v10 =	vld [tilespmem:s20+$0xFFFFFF90]  }
0x113: {  	v11 =	vld [tilespmem:s5+$0xFFFFFF90]  }
0x114: {  	v12 =	vld [tilespmem:s25+$0xFFFFFF90]  }
0x115: {  	v13 =	vld [tilespmem:s5+$0xFFFFFFA0]  }
0x116: {  	v14 =	vld [tilespmem:s25+$0xFFFFFFA0]  }
0x117: {  	v15 =	vld [tilespmem:s5+$0xFFFFFFB0]  }
0x118: {  	v16 =	vld [tilespmem:s25+$0xFFFFFFB0]  }
0x119: {  	v17 =	vld [tilespmem:s5+$0xFFFFFFC0]  }
0x11a: {  	v18 =	vld [tilespmem:s25+$0xFFFFFFC0];
	vm0 =	vge.f32 v2, v0  }
0x11b: {  	v2 =	vsel vm0, v1, v3;
	vm0 =	vge.f32 v10, v0;
	v1 =	vld [tilespmem:s5+$0xFFFFFFD0]  }
0x11c: {  	vm1 =	vge.f32 v4, v0;
	v3 =	vld [tilespmem:s25+$0xFFFFFFD0];
	v4 =	vsel vm0, v11, v12;
	[tilespmem:s19+$0x0] =	vst v2  }
0x11d: {  	vm0 =	vge.f32 v5, v0;
	v5 =	vsel vm1, v13, v14;
	v2 =	vld [tilespmem:s5+$0xFFFFFFE0];
	[tilespmem:s19+$0xFFFFFF90] =	vst v4  }
0x11e: {  	vm1 =	vge.f32 v6, v0;
	[tilespmem:s19+$0xFFFFFFA0] =	vst v5;
	v4 =	vsel vm0, v15, v16;
	v5 =	vld [tilespmem:s25+$0xFFFFFFE0]  }
0x11f: {  	v6 =	vsel vm1, v17, v18;
	[tilespmem:s19+$0xFFFFFFB0] =	vst v4;
	v4 =	vld [tilespmem:s5+$0xFFFFFFF0]  }
0x120: {  	s4 =	simm.s32 $0x0;
	vm2 =	vge.f32 v7, v0;
	vm1 =	vge.f32 v8, v0;
	vm0 =	vge.f32 v9, v0;
	[tilespmem:s19+$0xFFFFFFC0] =	vst v6;
	v6 =	vld [tilespmem:s25+$0xFFFFFFF0];
	s5 =	simm.s32 $0x4270  }
.LBB2_9:
0x121: {  	v7 =	vld [tilespmem:s5+$0x0];
	v1 =	vsel vm2, v1, v3;
	s20 =	sadd.s32 $0x100, s20  }
0x122: {  	s4 =	sadd.s32 $0x80, s4;
	s25 =	sadd.s32 $0x100, s25;
	v3 =	vld [tilespmem:s20+$0x0];
	[tilespmem:s19+$0xFFFFFFD0] =	vst v1  }
0x123: {  	p2 =	slt.u32 s4, $0x780;
	v1 =	vld [tilespmem:s25+$0x0];
	v2 =	vsel vm1, v2, v5  }
0x124: {  	v5 =	vld [tilespmem:s20+$0xFFFFFFA0];
	[tilespmem:s19+$0xFFFFFFE0] =	vst v2  }
0x125: {  	v2 =	vld [tilespmem:s20+$0xFFFFFFB0];
	v4 =	vsel vm0, v4, v6  }
0x126: {  	v6 =	vld [tilespmem:s20+$0xFFFFFFC0];
	[tilespmem:s19+$0xFFFFFFF0] =	vst v4  }
0x127: {  	v4 =	vld [tilespmem:s20+$0xFFFFFFD0];
	vm0 =	vge.f32 v3, v0  }
0x128: {  	s19 =	sadd.s32 $0x100, s19;
	v3 =	vld [tilespmem:s20+$0xFFFFFFE0];
	v1 =	vsel vm0, v7, v1  }
0x129: {  	vm4 =	vge.f32 v5, v0;
	v5 =	vld [tilespmem:s20+$0xFFFFFFF0];
	[tilespmem:s19+$0x0] =	vst v1  }
0x12a: {  	v1 =	vld [tilespmem:s20+$0xFFFFFF90];
	vm5 =	vge.f32 v2, v0  }
0x12b: {  	v2 =	vld [tilespmem:s5+$0xFFFFFF90];
	vm3 =	vge.f32 v6, v0  }
0x12c: {  	v6 =	vld [tilespmem:s25+$0xFFFFFF90];
	vm2 =	vge.f32 v4, v0  }
0x12d: {  	v4 =	vld [tilespmem:s5+$0xFFFFFFA0];
	vm1 =	vge.f32 v3, v0  }
0x12e: {  	v3 =	vld [tilespmem:s25+$0xFFFFFFA0];
	vm0 =	vge.f32 v5, v0  }
0x12f: {  	vm6 =	vge.f32 v1, v0;
	v5 =	vld [tilespmem:s5+$0xFFFFFFB0]  }
0x130: {  	v7 =	vld [tilespmem:s25+$0xFFFFFFB0]  }
0x131: {  	v1 =	vsel vm6, v2, v6;
	v6 =	vld [tilespmem:s5+$0xFFFFFFC0]  }
0x132: {  	[tilespmem:s19+$0xFFFFFF90] =	vst v1;
	v8 =	vld [tilespmem:s25+$0xFFFFFFC0]  }
0x133: {  	v2 =	vsel vm4, v4, v3;
	v1 =	vld [tilespmem:s5+$0xFFFFFFD0]  }
.Ltmp5:
0x134: {  	[tilespmem:s19+$0xFFFFFFA0] =	vst v2;
	v3 =	vld [tilespmem:s25+$0xFFFFFFD0];
	(pc) =	sbr.rel @p2 .LBB2_9-.Ltmp5, $4  }
0x135: {  	v4 =	vsel vm5, v5, v7;
	v2 =	vld [tilespmem:s5+$0xFFFFFFE0]  }
0x136: {  	[tilespmem:s19+$0xFFFFFFB0] =	vst v4;
	v5 =	vld [tilespmem:s25+$0xFFFFFFE0]  }
0x137: {  	v6 =	vsel vm3, v6, v8;
	v4 =	vld [tilespmem:s5+$0xFFFFFFF0]  }
0x138: {  	s5 =	sadd.s32 $0x100, s5;
	[tilespmem:s19+$0xFFFFFFC0] =	vst v6;
	v6 =	vld [tilespmem:s25+$0xFFFFFFF0]  }
0x139: {  	_ =	sdelay $0x1  }
0x13a: {  	v1 =	vsel vm2, v1, v3  }
0x13b: {  	[tilespmem:s19+$0xFFFFFFD0] =	vst v1;
	v1 =	vsel vm1, v2, v5  }
0x13c: {  	[tilespmem:s19+$0xFFFFFFE0] =	vst v1;
	v1 =	vsel vm0, v4, v6  }
0x13d: {  	s4 =	sadd.s32 s18, s26;
	s5 =	simm.s32 $0x7080;
	[tilespmem:s19+$0xFFFFFFF0] =	vst v1  }
0x13e: {  	[hbm4b:s4+s31] =	stream.strided.scatter [tilespmem:s5], [sflag:$0x6], $0x1000, s0, s31, $0x38;
	[tilespmem:$0x10080] =	vst v63  }
0x13f: {  	s6 =	simm.s32 @!p1 $0x100;
	s4 =	sadd.s32 @!p1 s22, s17  }
0x140: {  	s7 =	simm.s32 @!p1 $0x400;
	s10 =	simm.s32 @!p1 $0x4080;
	s5 =	sadd.s32 @!p1 s1, s4  }
0x141: {  	[tilespmem:s10], [sflag:$0x2] =	stream.strided.gather @!p1 [hbm4b:s5+s6], $0x1000, s7, s6, $0x38;
	[tilespmem:$0x10080] =	vst v63  }
0x142: {  	s5 =	sadd.s32 @!p1 s2, s4;
	s10 =	simm.s32 @!p1 $0x5080  }
0x143: {  	[tilespmem:s10], [sflag:$0x2] =	stream.strided.gather @!p1 [hbm4b:s5+s6], $0x1000, s7, s6, $0x38;
	[tilespmem:$0x10080] =	vst v63  }
0x144: {  	s4 =	sadd.s32 @!p1 s3, s4;
	s5 =	simm.s32 @!p1 $0x6080  }
0x145: {  	[tilespmem:s5], [sflag:$0x2] =	stream.strided.gather @!p1 [hbm4b:s4+s6], $0x1000, s7, s6, $0x38;
	[tilespmem:$0x10080] =	vst v63  }
0x146: {  	_ =	swait.ge [sflag:s13], $0x1000  }
0x147: {  	[sflag:s13] =	ssyncset.done $0x0  }
0x148: {  	[sflag:s13] =	ssyncadd.s32 $0xFFFFF000  }
0x149: {  	_ =	swait.ge [sflag:s13], $0x1000  }
0x14a: {  	[sflag:s13] =	ssyncset.done $0x0  }
0x14b: {  	[sflag:s13] =	ssyncadd.s32 $0xFFFFF000  }
0x14c: {  	_ =	swait.ge [sflag:s13], $0x1000  }
0x14d: {  	[sflag:s13] =	ssyncset.done $0x0  }
0x14e: {  	s4 =	simm.s32 @!p0 $0x7;
	[sflag:s13] =	ssyncadd.s32 $0xFFFFF000  }
0x14f: {  	_ =	swait.ge @!p0 [sflag:s4], $0x1000  }
0x150: {  	[sflag:s4] =	ssyncset.done @!p0 $0x0  }
0x151: {  	s25 =	simm.s32 $0x80C0;
	[sflag:s4] =	ssyncadd.s32 @!p0 $0xFFFFF000  }
0x152: {  	s4 =	simm.s32 $0xA0C0;
	v1 =	vld [tilespmem:s25+$0x30]  }
0x153: {  	s6 =	simm.s32 $0x90C0;
	v2 =	vld [tilespmem:s4+$0x30]  }
0x154: {  	v3 =	vld [tilespmem:s6+$0x30]  }
0x155: {  	v4 =	vld [tilespmem:s4+$0xFFFFFFD0]  }
0x156: {  	v5 =	vld [tilespmem:s4+$0xFFFFFFE0]  }
0x157: {  	v6 =	vld [tilespmem:s4+$0xFFFFFFF0]  }
0x158: {  	v7 =	vld [tilespmem:s4+$0x0]  }
0x159: {  	v8 =	vld [tilespmem:s4+$0x10]  }
0x15a: {  	v9 =	vld [tilespmem:s4+$0x20]  }
0x15b: {  	v10 =	vld [tilespmem:s4+$0xFFFFFFC0]  }
0x15c: {  	v11 =	vld [tilespmem:s25+$0xFFFFFFC0]  }
0x15d: {  	v12 =	vld [tilespmem:s6+$0xFFFFFFC0]  }
0x15e: {  	v13 =	vld [tilespmem:s25+$0xFFFFFFD0]  }
0x15f: {  	v14 =	vld [tilespmem:s6+$0xFFFFFFD0]  }
0x160: {  	v15 =	vld [tilespmem:s25+$0xFFFFFFE0]  }
0x161: {  	v16 =	vld [tilespmem:s6+$0xFFFFFFE0]  }
0x162: {  	v17 =	vld [tilespmem:s25+$0xFFFFFFF0]  }
0x163: {  	v18 =	vld [tilespmem:s6+$0xFFFFFFF0];
	vm0 =	vge.f32 v2, v0  }
0x164: {  	s7 =	simm.s32 $0xB0C0;
	v2 =	vsel vm0, v1, v3;
	vm0 =	vge.f32 v10, v0;
	v1 =	vld [tilespmem:s25+$0x0]  }
0x165: {  	vm1 =	vge.f32 v4, v0;
	v3 =	vld [tilespmem:s6+$0x0];
	v4 =	vsel vm0, v11, v12;
	[tilespmem:s7+$0x30] =	vst v2  }
0x166: {  	vm0 =	vge.f32 v5, v0;
	v5 =	vsel vm1, v13, v14;
	v2 =	vld [tilespmem:s25+$0x10];
	[tilespmem:s7+$0xFFFFFFC0] =	vst v4  }
0x167: {  	vm1 =	vge.f32 v6, v0;
	[tilespmem:s7+$0xFFFFFFD0] =	vst v5;
	v5 =	vsel vm0, v15, v16;
	v4 =	vld [tilespmem:s6+$0x10]  }
0x168: {  	s20 =	simm.s32 $0xA170;
	s12 =	simm.s32 $0x81C0;
	s19 =	simm.s32 $0xB170;
	v6 =	vsel vm1, v17, v18;
	[tilespmem:s7+$0xFFFFFFE0] =	vst v5;
	v5 =	vld [tilespmem:s25+$0x20]  }
0x169: {  	s10 =	simm.s32 $0x0;
	s5 =	simm.s32 $0x8170;
	vm2 =	vge.f32 v7, v0;
	vm1 =	vge.f32 v8, v0;
	vm0 =	vge.f32 v9, v0;
	s25 =	simm.s32 $0x9170;
	[tilespmem:s7+$0xFFFFFFF0] =	vst v6;
	v6 =	vld [tilespmem:s6+$0x20]  }
.LBB2_11:
0x16a: {  	v7 =	vld [tilespmem:s12+$0x30];
	v1 =	vsel vm2, v1, v3;
	s4 =	sadd.s32 $0x100, s4  }
0x16b: {  	s10 =	sadd.s32 $0x80, s10;
	s6 =	sadd.s32 $0x100, s6;
	v3 =	vld [tilespmem:s4+$0x30];
	[tilespmem:s7+$0x0] =	vst v1  }
0x16c: {  	p2 =	slt.u32 s10, $0x780;
	v1 =	vld [tilespmem:s6+$0x30];
	v2 =	vsel vm1, v2, v4  }
0x16d: {  	v4 =	vld [tilespmem:s4+$0xFFFFFFD0];
	[tilespmem:s7+$0x10] =	vst v2  }
0x16e: {  	v2 =	vld [tilespmem:s4+$0xFFFFFFE0];
	v5 =	vsel vm0, v5, v6  }
0x16f: {  	v6 =	vld [tilespmem:s4+$0xFFFFFFF0];
	[tilespmem:s7+$0x20] =	vst v5  }
0x170: {  	v5 =	vld [tilespmem:s4+$0x0];
	vm0 =	vge.f32 v3, v0  }
0x171: {  	s7 =	sadd.s32 $0x100, s7;
	v3 =	vld [tilespmem:s4+$0x10];
	v1 =	vsel vm0, v7, v1  }
0x172: {  	vm4 =	vge.f32 v4, v0;
	v4 =	vld [tilespmem:s4+$0x20];
	[tilespmem:s7+$0x30] =	vst v1  }
0x173: {  	v1 =	vld [tilespmem:s4+$0xFFFFFFC0];
	vm5 =	vge.f32 v2, v0  }
0x174: {  	v2 =	vld [tilespmem:s12+$0xFFFFFFC0];
	vm3 =	vge.f32 v6, v0  }
0x175: {  	v6 =	vld [tilespmem:s6+$0xFFFFFFC0];
	vm2 =	vge.f32 v5, v0  }
0x176: {  	v5 =	vld [tilespmem:s12+$0xFFFFFFD0];
	vm1 =	vge.f32 v3, v0  }
0x177: {  	v3 =	vld [tilespmem:s6+$0xFFFFFFD0];
	vm0 =	vge.f32 v4, v0  }
0x178: {  	vm6 =	vge.f32 v1, v0;
	v4 =	vld [tilespmem:s12+$0xFFFFFFE0]  }
0x179: {  	v7 =	vld [tilespmem:s6+$0xFFFFFFE0]  }
0x17a: {  	v1 =	vsel vm6, v2, v6;
	v6 =	vld [tilespmem:s12+$0xFFFFFFF0]  }
0x17b: {  	[tilespmem:s7+$0xFFFFFFC0] =	vst v1;
	v8 =	vld [tilespmem:s6+$0xFFFFFFF0]  }
0x17c: {  	v2 =	vsel vm4, v5, v3;
	v1 =	vld [tilespmem:s12+$0x0]  }
.Ltmp6:
0x17d: {  	[tilespmem:s7+$0xFFFFFFD0] =	vst v2;
	v3 =	vld [tilespmem:s6+$0x0];
	(pc) =	sbr.rel @p2 .LBB2_11-.Ltmp6, $4  }
0x17e: {  	v4 =	vsel vm5, v4, v7;
	v2 =	vld [tilespmem:s12+$0x10]  }
0x17f: {  	[tilespmem:s7+$0xFFFFFFE0] =	vst v4;
	v4 =	vld [tilespmem:s6+$0x10]  }
0x180: {  	v6 =	vsel vm3, v6, v8;
	v5 =	vld [tilespmem:s12+$0x20]  }
0x181: {  	s12 =	sadd.s32 $0x100, s12;
	[tilespmem:s7+$0xFFFFFFF0] =	vst v6;
	v6 =	vld [tilespmem:s6+$0x20]  }
0x182: {  	_ =	sdelay $0x1  }
0x183: {  	v1 =	vsel vm2, v1, v3  }
0x184: {  	[tilespmem:s7+$0x0] =	vst v1;
	v1 =	vsel vm1, v2, v4  }
0x185: {  	[tilespmem:s7+$0x10] =	vst v1;
	v1 =	vsel vm0, v5, v6  }
0x186: {  	[tilespmem:s7+$0x20] =	vst v1  }
0x187: {  	v1 =	vld [tilespmem:s5+$0x0]  }
0x188: {  	v2 =	vld [tilespmem:s20+$0x0]  }
0x189: {  	v3 =	vld [tilespmem:s25+$0x0]  }
0x18a: {  	v4 =	vld [tilespmem:s20+$0xFFFFFFA0]  }
0x18b: {  	v5 =	vld [tilespmem:s20+$0xFFFFFFB0]  }
0x18c: {  	v6 =	vld [tilespmem:s20+$0xFFFFFFC0]  }
0x18d: {  	v7 =	vld [tilespmem:s20+$0xFFFFFFD0]  }
0x18e: {  	v8 =	vld [tilespmem:s20+$0xFFFFFFE0]  }
0x18f: {  	v9 =	vld [tilespmem:s20+$0xFFFFFFF0]  }
0x190: {  	v10 =	vld [tilespmem:s20+$0xFFFFFF90]  }
0x191: {  	v11 =	vld [tilespmem:s5+$0xFFFFFF90]  }
0x192: {  	v12 =	vld [tilespmem:s25+$0xFFFFFF90]  }
0x193: {  	v13 =	vld [tilespmem:s5+$0xFFFFFFA0]  }
0x194: {  	v14 =	vld [tilespmem:s25+$0xFFFFFFA0]  }
0x195: {  	v15 =	vld [tilespmem:s5+$0xFFFFFFB0]  }
0x196: {  	v16 =	vld [tilespmem:s25+$0xFFFFFFB0]  }
0x197: {  	v17 =	vld [tilespmem:s5+$0xFFFFFFC0]  }
0x198: {  	v18 =	vld [tilespmem:s25+$0xFFFFFFC0];
	vm0 =	vge.f32 v2, v0  }
0x199: {  	v2 =	vsel vm0, v1, v3;
	vm0 =	vge.f32 v10, v0;
	v1 =	vld [tilespmem:s5+$0xFFFFFFD0]  }
0x19a: {  	vm1 =	vge.f32 v4, v0;
	v3 =	vld [tilespmem:s25+$0xFFFFFFD0];
	v4 =	vsel vm0, v11, v12;
	[tilespmem:s19+$0x0] =	vst v2  }
0x19b: {  	vm0 =	vge.f32 v5, v0;
	v5 =	vsel vm1, v13, v14;
	v2 =	vld [tilespmem:s5+$0xFFFFFFE0];
	[tilespmem:s19+$0xFFFFFF90] =	vst v4  }
0x19c: {  	vm1 =	vge.f32 v6, v0;
	[tilespmem:s19+$0xFFFFFFA0] =	vst v5;
	v4 =	vsel vm0, v15, v16;
	v5 =	vld [tilespmem:s25+$0xFFFFFFE0]  }
0x19d: {  	v6 =	vsel vm1, v17, v18;
	[tilespmem:s19+$0xFFFFFFB0] =	vst v4;
	v4 =	vld [tilespmem:s5+$0xFFFFFFF0]  }
0x19e: {  	s4 =	simm.s32 $0x0;
	vm2 =	vge.f32 v7, v0;
	vm1 =	vge.f32 v8, v0;
	vm0 =	vge.f32 v9, v0;
	[tilespmem:s19+$0xFFFFFFC0] =	vst v6;
	v6 =	vld [tilespmem:s25+$0xFFFFFFF0];
	s5 =	simm.s32 $0x8270  }
.LBB2_13:
0x19f: {  	v7 =	vld [tilespmem:s5+$0x0];
	v1 =	vsel vm2, v1, v3;
	s20 =	sadd.s32 $0x100, s20  }
0x1a0: {  	s4 =	sadd.s32 $0x80, s4;
	s25 =	sadd.s32 $0x100, s25;
	v3 =	vld [tilespmem:s20+$0x0];
	[tilespmem:s19+$0xFFFFFFD0] =	vst v1  }
0x1a1: {  	p2 =	slt.u32 s4, $0x780;
	v1 =	vld [tilespmem:s25+$0x0];
	v2 =	vsel vm1, v2, v5  }
0x1a2: {  	v5 =	vld [tilespmem:s20+$0xFFFFFFA0];
	[tilespmem:s19+$0xFFFFFFE0] =	vst v2  }
0x1a3: {  	v2 =	vld [tilespmem:s20+$0xFFFFFFB0];
	v4 =	vsel vm0, v4, v6  }
0x1a4: {  	v6 =	vld [tilespmem:s20+$0xFFFFFFC0];
	[tilespmem:s19+$0xFFFFFFF0] =	vst v4  }
0x1a5: {  	v4 =	vld [tilespmem:s20+$0xFFFFFFD0];
	vm0 =	vge.f32 v3, v0  }
0x1a6: {  	s19 =	sadd.s32 $0x100, s19;
	v3 =	vld [tilespmem:s20+$0xFFFFFFE0];
	v1 =	vsel vm0, v7, v1  }
0x1a7: {  	vm4 =	vge.f32 v5, v0;
	v5 =	vld [tilespmem:s20+$0xFFFFFFF0];
	[tilespmem:s19+$0x0] =	vst v1  }
0x1a8: {  	v1 =	vld [tilespmem:s20+$0xFFFFFF90];
	vm5 =	vge.f32 v2, v0  }
0x1a9: {  	v2 =	vld [tilespmem:s5+$0xFFFFFF90];
	vm3 =	vge.f32 v6, v0  }
0x1aa: {  	v6 =	vld [tilespmem:s25+$0xFFFFFF90];
	vm2 =	vge.f32 v4, v0  }
0x1ab: {  	v4 =	vld [tilespmem:s5+$0xFFFFFFA0];
	vm1 =	vge.f32 v3, v0  }
0x1ac: {  	v3 =	vld [tilespmem:s25+$0xFFFFFFA0];
	vm0 =	vge.f32 v5, v0  }
0x1ad: {  	vm6 =	vge.f32 v1, v0;
	v5 =	vld [tilespmem:s5+$0xFFFFFFB0]  }
0x1ae: {  	v7 =	vld [tilespmem:s25+$0xFFFFFFB0]  }
0x1af: {  	v1 =	vsel vm6, v2, v6;
	v6 =	vld [tilespmem:s5+$0xFFFFFFC0]  }
0x1b0: {  	[tilespmem:s19+$0xFFFFFF90] =	vst v1;
	v8 =	vld [tilespmem:s25+$0xFFFFFFC0]  }
0x1b1: {  	v2 =	vsel vm4, v4, v3;
	v1 =	vld [tilespmem:s5+$0xFFFFFFD0]  }
.Ltmp7:
0x1b2: {  	[tilespmem:s19+$0xFFFFFFA0] =	vst v2;
	v3 =	vld [tilespmem:s25+$0xFFFFFFD0];
	(pc) =	sbr.rel @p2 .LBB2_13-.Ltmp7, $4  }
0x1b3: {  	v4 =	vsel vm5, v5, v7;
	v2 =	vld [tilespmem:s5+$0xFFFFFFE0]  }
0x1b4: {  	[tilespmem:s19+$0xFFFFFFB0] =	vst v4;
	v5 =	vld [tilespmem:s25+$0xFFFFFFE0]  }
0x1b5: {  	v6 =	vsel vm3, v6, v8;
	v4 =	vld [tilespmem:s5+$0xFFFFFFF0]  }
0x1b6: {  	s5 =	sadd.s32 $0x100, s5;
	[tilespmem:s19+$0xFFFFFFC0] =	vst v6;
	v6 =	vld [tilespmem:s25+$0xFFFFFFF0]  }
0x1b7: {  	_ =	sdelay $0x1  }
0x1b8: {  	v1 =	vsel vm2, v1, v3  }
0x1b9: {  	[tilespmem:s19+$0xFFFFFFD0] =	vst v1;
	v1 =	vsel vm1, v2, v5  }
0x1ba: {  	[tilespmem:s19+$0xFFFFFFE0] =	vst v1;
	v1 =	vsel vm0, v4, v6  }
0x1bb: {  	s4 =	sadd.s32 s18, s28;
	[tilespmem:s19+$0xFFFFFFF0] =	vst v1  }
0x1bc: {  	[hbm4b:s4+s31] =	stream.strided.scatter [tilespmem:s14], [sflag:$0x7], $0x1000, s0, s31, $0x38;
	[tilespmem:$0x10080] =	vst v63  }
0x1bd: {  	s6 =	simm.s32 @!p1 $0x100;
	s4 =	sadd.s32 @!p1 s23, s17  }
0x1be: {  	s7 =	simm.s32 @!p1 $0x400;
	s10 =	simm.s32 @!p1 $0x8080;
	s5 =	sadd.s32 @!p1 s1, s4  }
0x1bf: {  	[tilespmem:s10], [sflag:$0x3] =	stream.strided.gather @!p1 [hbm4b:s5+s6], $0x1000, s7, s6, $0x38;
	[tilespmem:$0x10080] =	vst v63  }
0x1c0: {  	s5 =	sadd.s32 @!p1 s2, s4;
	s10 =	simm.s32 @!p1 $0x9080  }
0x1c1: {  	[tilespmem:s10], [sflag:$0x3] =	stream.strided.gather @!p1 [hbm4b:s5+s6], $0x1000, s7, s6, $0x38;
	[tilespmem:$0x10080] =	vst v63  }
0x1c2: {  	s4 =	sadd.s32 @!p1 s3, s4;
	s5 =	simm.s32 @!p1 $0xA080  }
0x1c3: {  	[tilespmem:s5], [sflag:$0x3] =	stream.strided.gather @!p1 [hbm4b:s4+s6], $0x1000, s7, s6, $0x38;
	[tilespmem:$0x10080] =	vst v63  }
0x1c4: {  	_ =	swait.ge [sflag:s15], $0x1000  }
0x1c5: {  	[sflag:s15] =	ssyncset.done $0x0  }
0x1c6: {  	[sflag:s15] =	ssyncadd.s32 $0xFFFFF000  }
0x1c7: {  	_ =	swait.ge [sflag:s15], $0x1000  }
0x1c8: {  	[sflag:s15] =	ssyncset.done $0x0  }
0x1c9: {  	[sflag:s15] =	ssyncadd.s32 $0xFFFFF000  }
0x1ca: {  	_ =	swait.ge [sflag:s15], $0x1000  }
0x1cb: {  	[sflag:s15] =	ssyncset.done $0x0  }
0x1cc: {  	s4 =	simm.s32 @!p0 $0x8;
	[sflag:s15] =	ssyncadd.s32 $0xFFFFF000  }
0x1cd: {  	_ =	swait.ge @!p0 [sflag:s4], $0x1000  }
0x1ce: {  	[sflag:s4] =	ssyncset.done @!p0 $0x0  }
0x1cf: {  	s25 =	simm.s32 $0xC0C0;
	[sflag:s4] =	ssyncadd.s32 @!p0 $0xFFFFF000  }
0x1d0: {  	s4 =	simm.s32 $0xE0C0;
	v1 =	vld [tilespmem:s25+$0x30]  }
0x1d1: {  	s6 =	simm.s32 $0xD0C0;
	v2 =	vld [tilespmem:s4+$0x30]  }
0x1d2: {  	v3 =	vld [tilespmem:s6+$0x30]  }
0x1d3: {  	v4 =	vld [tilespmem:s4+$0xFFFFFFD0]  }
0x1d4: {  	v5 =	vld [tilespmem:s4+$0xFFFFFFE0]  }
0x1d5: {  	v6 =	vld [tilespmem:s4+$0xFFFFFFF0]  }
0x1d6: {  	v7 =	vld [tilespmem:s4+$0x0]  }
0x1d7: {  	v8 =	vld [tilespmem:s4+$0x10]  }
0x1d8: {  	v9 =	vld [tilespmem:s4+$0x20]  }
0x1d9: {  	v10 =	vld [tilespmem:s4+$0xFFFFFFC0]  }
0x1da: {  	v11 =	vld [tilespmem:s25+$0xFFFFFFC0]  }
0x1db: {  	v12 =	vld [tilespmem:s6+$0xFFFFFFC0]  }
0x1dc: {  	v13 =	vld [tilespmem:s25+$0xFFFFFFD0]  }
0x1dd: {  	v14 =	vld [tilespmem:s6+$0xFFFFFFD0]  }
0x1de: {  	v15 =	vld [tilespmem:s25+$0xFFFFFFE0]  }
0x1df: {  	v16 =	vld [tilespmem:s6+$0xFFFFFFE0]  }
0x1e0: {  	v17 =	vld [tilespmem:s25+$0xFFFFFFF0]  }
0x1e1: {  	v18 =	vld [tilespmem:s6+$0xFFFFFFF0];
	vm0 =	vge.f32 v2, v0  }
0x1e2: {  	s7 =	simm.s32 $0xF0C0;
	v2 =	vsel vm0, v1, v3;
	vm0 =	vge.f32 v10, v0;
	v1 =	vld [tilespmem:s25+$0x0]  }
0x1e3: {  	vm1 =	vge.f32 v4, v0;
	v3 =	vld [tilespmem:s6+$0x0];
	v4 =	vsel vm0, v11, v12;
	[tilespmem:s7+$0x30] =	vst v2  }
0x1e4: {  	vm0 =	vge.f32 v5, v0;
	v5 =	vsel vm1, v13, v14;
	v2 =	vld [tilespmem:s25+$0x10];
	[tilespmem:s7+$0xFFFFFFC0] =	vst v4  }
0x1e5: {  	vm1 =	vge.f32 v6, v0;
	[tilespmem:s7+$0xFFFFFFD0] =	vst v5;
	v5 =	vsel vm0, v15, v16;
	v4 =	vld [tilespmem:s6+$0x10]  }
0x1e6: {  	s20 =	simm.s32 $0xE170;
	s12 =	simm.s32 $0xC1C0;
	s19 =	simm.s32 $0xF170;
	v6 =	vsel vm1, v17, v18;
	[tilespmem:s7+$0xFFFFFFE0] =	vst v5;
	v5 =	vld [tilespmem:s25+$0x20]  }
0x1e7: {  	s10 =	simm.s32 $0x0;
	s5 =	simm.s32 $0xC170;
	vm2 =	vge.f32 v7, v0;
	vm1 =	vge.f32 v8, v0;
	vm0 =	vge.f32 v9, v0;
	s25 =	simm.s32 $0xD170;
	[tilespmem:s7+$0xFFFFFFF0] =	vst v6;
	v6 =	vld [tilespmem:s6+$0x20]  }
.LBB2_15:
0x1e8: {  	v7 =	vld [tilespmem:s12+$0x30];
	v1 =	vsel vm2, v1, v3;
	s4 =	sadd.s32 $0x100, s4  }
0x1e9: {  	s10 =	sadd.s32 $0x80, s10;
	s6 =	sadd.s32 $0x100, s6;
	v3 =	vld [tilespmem:s4+$0x30];
	[tilespmem:s7+$0x0] =	vst v1  }
0x1ea: {  	p0 =	slt.u32 s10, $0x780;
	v1 =	vld [tilespmem:s6+$0x30];
	v2 =	vsel vm1, v2, v4  }
0x1eb: {  	v4 =	vld [tilespmem:s4+$0xFFFFFFD0];
	[tilespmem:s7+$0x10] =	vst v2  }
0x1ec: {  	v2 =	vld [tilespmem:s4+$0xFFFFFFE0];
	v5 =	vsel vm0, v5, v6  }
0x1ed: {  	v6 =	vld [tilespmem:s4+$0xFFFFFFF0];
	[tilespmem:s7+$0x20] =	vst v5  }
0x1ee: {  	v5 =	vld [tilespmem:s4+$0x0];
	vm0 =	vge.f32 v3, v0  }
0x1ef: {  	s7 =	sadd.s32 $0x100, s7;
	v3 =	vld [tilespmem:s4+$0x10];
	v1 =	vsel vm0, v7, v1  }
0x1f0: {  	vm4 =	vge.f32 v4, v0;
	v4 =	vld [tilespmem:s4+$0x20];
	[tilespmem:s7+$0x30] =	vst v1  }
0x1f1: {  	v1 =	vld [tilespmem:s4+$0xFFFFFFC0];
	vm5 =	vge.f32 v2, v0  }
0x1f2: {  	v2 =	vld [tilespmem:s12+$0xFFFFFFC0];
	vm3 =	vge.f32 v6, v0  }
0x1f3: {  	v6 =	vld [tilespmem:s6+$0xFFFFFFC0];
	vm2 =	vge.f32 v5, v0  }
0x1f4: {  	v5 =	vld [tilespmem:s12+$0xFFFFFFD0];
	vm1 =	vge.f32 v3, v0  }
0x1f5: {  	v3 =	vld [tilespmem:s6+$0xFFFFFFD0];
	vm0 =	vge.f32 v4, v0  }
0x1f6: {  	vm6 =	vge.f32 v1, v0;
	v4 =	vld [tilespmem:s12+$0xFFFFFFE0]  }
0x1f7: {  	v7 =	vld [tilespmem:s6+$0xFFFFFFE0]  }
0x1f8: {  	v1 =	vsel vm6, v2, v6;
	v6 =	vld [tilespmem:s12+$0xFFFFFFF0]  }
0x1f9: {  	[tilespmem:s7+$0xFFFFFFC0] =	vst v1;
	v8 =	vld [tilespmem:s6+$0xFFFFFFF0]  }
0x1fa: {  	v2 =	vsel vm4, v5, v3;
	v1 =	vld [tilespmem:s12+$0x0]  }
.Ltmp8:
0x1fb: {  	[tilespmem:s7+$0xFFFFFFD0] =	vst v2;
	v3 =	vld [tilespmem:s6+$0x0];
	(pc) =	sbr.rel @p0 .LBB2_15-.Ltmp8, $4  }
0x1fc: {  	v4 =	vsel vm5, v4, v7;
	v2 =	vld [tilespmem:s12+$0x10]  }
0x1fd: {  	[tilespmem:s7+$0xFFFFFFE0] =	vst v4;
	v4 =	vld [tilespmem:s6+$0x10]  }
0x1fe: {  	v6 =	vsel vm3, v6, v8;
	v5 =	vld [tilespmem:s12+$0x20]  }
0x1ff: {  	s12 =	sadd.s32 $0x100, s12;
	[tilespmem:s7+$0xFFFFFFF0] =	vst v6;
	v6 =	vld [tilespmem:s6+$0x20]  }
0x200: {  	_ =	sdelay $0x1  }
0x201: {  	v1 =	vsel vm2, v1, v3  }
0x202: {  	[tilespmem:s7+$0x0] =	vst v1;
	v1 =	vsel vm1, v2, v4  }
0x203: {  	[tilespmem:s7+$0x10] =	vst v1;
	v1 =	vsel vm0, v5, v6  }
0x204: {  	[tilespmem:s7+$0x20] =	vst v1  }
0x205: {  	v1 =	vld [tilespmem:s5+$0x0]  }
0x206: {  	v2 =	vld [tilespmem:s20+$0x0]  }
0x207: {  	v3 =	vld [tilespmem:s25+$0x0]  }
0x208: {  	v4 =	vld [tilespmem:s20+$0xFFFFFFA0]  }
0x209: {  	v5 =	vld [tilespmem:s20+$0xFFFFFFB0]  }
0x20a: {  	v6 =	vld [tilespmem:s20+$0xFFFFFFC0]  }
0x20b: {  	v7 =	vld [tilespmem:s20+$0xFFFFFFD0]  }
0x20c: {  	v8 =	vld [tilespmem:s20+$0xFFFFFFE0]  }
0x20d: {  	v9 =	vld [tilespmem:s20+$0xFFFFFFF0]  }
0x20e: {  	v10 =	vld [tilespmem:s20+$0xFFFFFF90]  }
0x20f: {  	v11 =	vld [tilespmem:s5+$0xFFFFFF90]  }
0x210: {  	v12 =	vld [tilespmem:s25+$0xFFFFFF90]  }
0x211: {  	v13 =	vld [tilespmem:s5+$0xFFFFFFA0]  }
0x212: {  	v14 =	vld [tilespmem:s25+$0xFFFFFFA0]  }
0x213: {  	v15 =	vld [tilespmem:s5+$0xFFFFFFB0]  }
0x214: {  	v16 =	vld [tilespmem:s25+$0xFFFFFFB0]  }
0x215: {  	v17 =	vld [tilespmem:s5+$0xFFFFFFC0]  }
0x216: {  	v18 =	vld [tilespmem:s25+$0xFFFFFFC0];
	vm0 =	vge.f32 v2, v0  }
0x217: {  	v2 =	vsel vm0, v1, v3;
	vm0 =	vge.f32 v10, v0;
	v1 =	vld [tilespmem:s5+$0xFFFFFFD0]  }
0x218: {  	vm1 =	vge.f32 v4, v0;
	v3 =	vld [tilespmem:s25+$0xFFFFFFD0];
	v4 =	vsel vm0, v11, v12;
	[tilespmem:s19+$0x0] =	vst v2  }
0x219: {  	vm0 =	vge.f32 v5, v0;
	v5 =	vsel vm1, v13, v14;
	v2 =	vld [tilespmem:s5+$0xFFFFFFE0];
	[tilespmem:s19+$0xFFFFFF90] =	vst v4  }
0x21a: {  	vm1 =	vge.f32 v6, v0;
	[tilespmem:s19+$0xFFFFFFA0] =	vst v5;
	v4 =	vsel vm0, v15, v16;
	v5 =	vld [tilespmem:s25+$0xFFFFFFE0]  }
0x21b: {  	v6 =	vsel vm1, v17, v18;
	[tilespmem:s19+$0xFFFFFFB0] =	vst v4;
	v4 =	vld [tilespmem:s5+$0xFFFFFFF0]  }
0x21c: {  	s4 =	simm.s32 $0x0;
	vm2 =	vge.f32 v7, v0;
	vm1 =	vge.f32 v8, v0;
	vm0 =	vge.f32 v9, v0;
	[tilespmem:s19+$0xFFFFFFC0] =	vst v6;
	v6 =	vld [tilespmem:s25+$0xFFFFFFF0];
	s5 =	simm.s32 $0xC270  }
.LBB2_17:
0x21d: {  	v7 =	vld [tilespmem:s5+$0x0];
	v1 =	vsel vm2, v1, v3;
	s20 =	sadd.s32 $0x100, s20  }
0x21e: {  	s4 =	sadd.s32 $0x80, s4;
	s25 =	sadd.s32 $0x100, s25;
	v3 =	vld [tilespmem:s20+$0x0];
	[tilespmem:s19+$0xFFFFFFD0] =	vst v1  }
0x21f: {  	p0 =	slt.u32 s4, $0x780;
	v1 =	vld [tilespmem:s25+$0x0];
	v2 =	vsel vm1, v2, v5  }
0x220: {  	v5 =	vld [tilespmem:s20+$0xFFFFFFA0];
	[tilespmem:s19+$0xFFFFFFE0] =	vst v2  }
0x221: {  	v2 =	vld [tilespmem:s20+$0xFFFFFFB0];
	v4 =	vsel vm0, v4, v6  }
0x222: {  	v6 =	vld [tilespmem:s20+$0xFFFFFFC0];
	[tilespmem:s19+$0xFFFFFFF0] =	vst v4  }
0x223: {  	v4 =	vld [tilespmem:s20+$0xFFFFFFD0];
	vm0 =	vge.f32 v3, v0  }
0x224: {  	s19 =	sadd.s32 $0x100, s19;
	v3 =	vld [tilespmem:s20+$0xFFFFFFE0];
	v1 =	vsel vm0, v7, v1  }
0x225: {  	vm4 =	vge.f32 v5, v0;
	v5 =	vld [tilespmem:s20+$0xFFFFFFF0];
	[tilespmem:s19+$0x0] =	vst v1  }
0x226: {  	v1 =	vld [tilespmem:s20+$0xFFFFFF90];
	vm5 =	vge.f32 v2, v0  }
0x227: {  	v2 =	vld [tilespmem:s5+$0xFFFFFF90];
	vm3 =	vge.f32 v6, v0  }
0x228: {  	v6 =	vld [tilespmem:s25+$0xFFFFFF90];
	vm2 =	vge.f32 v4, v0  }
0x229: {  	v4 =	vld [tilespmem:s5+$0xFFFFFFA0];
	vm1 =	vge.f32 v3, v0  }
0x22a: {  	v3 =	vld [tilespmem:s25+$0xFFFFFFA0];
	vm0 =	vge.f32 v5, v0  }
0x22b: {  	vm6 =	vge.f32 v1, v0;
	v5 =	vld [tilespmem:s5+$0xFFFFFFB0]  }
0x22c: {  	v7 =	vld [tilespmem:s25+$0xFFFFFFB0]  }
0x22d: {  	v1 =	vsel vm6, v2, v6;
	v6 =	vld [tilespmem:s5+$0xFFFFFFC0]  }
0x22e: {  	[tilespmem:s19+$0xFFFFFF90] =	vst v1;
	v8 =	vld [tilespmem:s25+$0xFFFFFFC0]  }
0x22f: {  	v2 =	vsel vm4, v4, v3;
	v1 =	vld [tilespmem:s5+$0xFFFFFFD0]  }
.Ltmp9:
0x230: {  	[tilespmem:s19+$0xFFFFFFA0] =	vst v2;
	v3 =	vld [tilespmem:s25+$0xFFFFFFD0];
	(pc) =	sbr.rel @p0 .LBB2_17-.Ltmp9, $4  }
0x231: {  	v4 =	vsel vm5, v5, v7;
	v2 =	vld [tilespmem:s5+$0xFFFFFFE0]  }
0x232: {  	[tilespmem:s19+$0xFFFFFFB0] =	vst v4;
	v5 =	vld [tilespmem:s25+$0xFFFFFFE0]  }
0x233: {  	v6 =	vsel vm3, v6, v8;
	v4 =	vld [tilespmem:s5+$0xFFFFFFF0]  }
0x234: {  	s5 =	sadd.s32 $0x100, s5;
	[tilespmem:s19+$0xFFFFFFC0] =	vst v6;
	v6 =	vld [tilespmem:s25+$0xFFFFFFF0]  }
0x235: {  	_ =	sdelay $0x1  }
.Ltmp10:
0x236: {  	v1 =	vsel vm2, v1, v3;
	(pc) =	sbr.rel @p1 .LBB2_20-.Ltmp10, $4  }
0x237: {  	[tilespmem:s19+$0xFFFFFFD0] =	vst v1;
	v1 =	vsel vm1, v2, v5  }
0x238: {  	[tilespmem:s19+$0xFFFFFFE0] =	vst v1;
	v1 =	vsel vm0, v4, v6  }
0x239: {  	s4 =	sadd.s32 s18, s29;
	[tilespmem:s19+$0xFFFFFFF0] =	vst v1  }
0x23a: {  	[hbm4b:s4+s31] =	stream.strided.scatter [tilespmem:s16], [sflag:$0x8], $0x1000, s0, s31, $0x38;
	[tilespmem:$0x10080] =	vst v63  }
0x23b: {  	s4 =	sadd.s32 s24, s17  }
0x23c: {  	s6 =	simm.s32 $0xC080;
	s5 =	sadd.s32 s1, s4  }
0x23d: {  	[tilespmem:s6], [sflag:$0x4] =	stream.strided.gather [hbm4b:s5+s31], $0x1000, s0, s31, $0x38;
	[tilespmem:$0x10080] =	vst v63  }
.Ltmp11:
0x23e: {  	_ = 	snop;
	(pc) =	sbr.rel .LBB2_2-.Ltmp11, $4  }
0x23f: {  	s20 =	simm.s32 $0xD080;
	s19 =	sadd.s32 s2, s4  }
0x240: {  	[tilespmem:s20], [sflag:$0x4] =	stream.strided.gather [hbm4b:s19+s31], $0x1000, s0, s31, $0x38;
	[tilespmem:$0x10080] =	vst v63  }
0x241: {  	s25 =	simm.s32 $0xE080;
	s30 =	sadd.s32 $0x1, s30;
	s4 =	sadd.s32 s3, s4  }
0x242: {  	[tilespmem:s25], [sflag:$0x4] =	stream.strided.gather [hbm4b:s4+s31], $0x1000, s0, s31, $0x38;
	[tilespmem:$0x10080] =	vst v63  }
.LBB2_21:
0x243: {  	_ =	sfence.sel $0x180000  }
0x244: {  	[bflag:$0x0] =	sbarrier.arrive $0xFFFF  }
0x245: {  	_ =	strace $0x90000047  }
0x246: {  	s0 =	stileid.u32;
	[bflag:$0x2] =	sbarrier.arrive $0xFFFF  }
0x247: {  	p0 =	sne.s32 s0, $0x0;
	s0 =	rddreg [dreg:$0x5]  }
0x248: {  	s0 =	sadd.s32 @!p0 $0x100000, s0  }
0x249: {  	[sflag:s0] =	ssyncadd.tile.s32 @!p0 $0x1;
	_ =	shalt  }
.Lfunc_end2:
_tile_overlayer_lowered:
.L_overlay_start_2:
0x24a: {  	(tag) =	ssettag $0x2  }
0x24b: {  	s0 =	rddreg [dreg:$0x0];
	s2 =	stileid.u32  }
0x24c: {  	s1 =	rddreg [dreg:$0x1];
	p0 =	sne.s32 s2, $0x0  }
0x24d: {  	s3 =	rddreg [dreg:$0x2];
	[bflag:$0x3] =	sbarrier.arrive $0xFFFF;
	s2 =	simm.s32 @!p0 $0x1C09  }
0x24e: {  	[timem:s3], [sflag:s2] =	dma.local @!p0 [hbm:s0], s1  }
0x24f: {  	s0 =	simm.s32 @!p0 $0x9  }
0x250: {  	_ =	swait.ge @!p0 [sflag:s0], s1  }
0x251: {  	s1 =	ssub.s32 @!p0 $0x0, s1;
	[sflag:s0] =	ssyncset.done @!p0 $0x0  }
0x252: {  	[sflag:s0] =	ssyncadd.s32 @!p0 s1  }
0x253: {  	[bflag:$0x3] =	sbarrier.arrive $0xFFFF  }
0x254: {  	_ =	shalt  }

</sc_bundles>
